<compile_context>
chip_gen: v7x
topology: tpu7x:2x2x1
jax: 0.10.2.dev20260603
libtpu: 0.0.44.dev20260713+nightly
codegen_flags: <defaults>
</compile_context>

<pallas_src>
import functools

import jax
import jax.numpy as jnp
from jax import lax
from jax.experimental import pallas as pl
from jax.experimental.pallas import tpu as pltpu
from jax.experimental.pallas import tpu_sc as plsc

B = 4096
D = 64
NCAT = 26
NNUM = 13
CATV = 1000
L = 200
NPRE = NCAT + NNUM
NOUT = NPRE + 2 * L
NPAD = 440
DPAD = 2 * D

NC = 2
NS = 16
NW = NC * NS

_MESH = plsc.VectorSubcoreMesh(core_axis_name="c", subcore_axis_name="s")
_SC_PARAMS = pltpu.CompilerParams(use_tc_tiling_on_sc=False)

_CAT_ROWS = B * NCAT
_CAT_PER_W = _CAT_ROWS // NW
_CAT_CHUNK = 208
_NCHUNK = _CAT_PER_W // _CAT_CHUNK
_B_PER_W = B // NW
_IDX_PER_W = _B_PER_W * L


@functools.partial(
    pl.kernel,
    out_type=[
        jax.ShapeDtypeStruct((_CAT_ROWS, D), jnp.float32),
        jax.ShapeDtypeStruct((B, NPAD, DPAD), jnp.float32),
    ],
    mesh=_MESH,
    scratch_types=[
        pltpu.VMEM((_CAT_CHUNK, D), jnp.float32),
        pltpu.VMEM((_CAT_CHUNK, D), jnp.float32),
        pltpu.VMEM((L, D), jnp.float32),
        pltpu.VMEM((L, D), jnp.float32),
        pltpu.VMEM((_IDX_PER_W,), jnp.int32),
        pltpu.VMEM((_IDX_PER_W,), jnp.int32),
        pltpu.SemaphoreType.DMA,
        pltpu.SemaphoreType.DMA,
        pltpu.SemaphoreType.DMA,
        pltpu.SemaphoreType.DMA,
    ],
    compiler_params=_SC_PARAMS,
)
def _gather_all(cat_idx_hbm, cat_tab_hbm, aidx_hbm, sidx_hbm, atab_hbm,
                stab_hbm, cat_out_hbm, out_hbm, a0_v, a1_v, s0_v, s1_v,
                aidx_v, sidx_v, sem_a0, sem_a1, sem_s0, sem_s1):
    wid = lax.axis_index("s") * NC + lax.axis_index("c")
    a_slot = (a0_v, a1_v)
    s_slot = (s0_v, s1_v)
    ga_sem = (sem_a0, sem_a1)
    gs_sem = (sem_s0, sem_s1)

    pltpu.sync_copy(cat_idx_hbm.at[pl.ds(wid * _CAT_PER_W, _CAT_PER_W)],
                    sidx_v.at[pl.ds(0, _CAT_PER_W)])

    def cat_issue(c, k):
        idx = sidx_v.at[pl.ds(c * _CAT_CHUNK, _CAT_CHUNK)]
        pltpu.async_copy(cat_tab_hbm.at[idx], a_slot[k], ga_sem[k])

    def cat_wait(k):
        pltpu.make_async_copy(
            cat_tab_hbm.at[pl.ds(0, _CAT_CHUNK)], a_slot[k],
            ga_sem[k]).wait()

    cat_issue(0, 0)
    for c in range(_NCHUNK):
        if c + 1 < _NCHUNK:
            cat_issue(c + 1, (c + 1) % 2)
        cat_wait(c % 2)
        pltpu.sync_copy(
            a_slot[c % 2],
            cat_out_hbm.at[pl.ds(wid * _CAT_PER_W + c * _CAT_CHUNK,
                                 _CAT_CHUNK)])

    pltpu.sync_copy(aidx_hbm.at[pl.ds(wid * _IDX_PER_W, _IDX_PER_W)], aidx_v)
    pltpu.sync_copy(sidx_hbm.at[pl.ds(wid * _IDX_PER_W, _IDX_PER_W)], sidx_v)

    def issue(k, i):
        ia = aidx_v.at[pl.ds(i * L, L)]
        js = sidx_v.at[pl.ds(i * L, L)]
        pltpu.async_copy(atab_hbm.at[ia], a_slot[k].at[pl.ds(0, L)],
                         ga_sem[k])
        pltpu.async_copy(stab_hbm.at[js], s_slot[k], gs_sem[k])

    def wait(k):
        pltpu.make_async_copy(atab_hbm.at[pl.ds(0, L)],
                              a_slot[k].at[pl.ds(0, L)], ga_sem[k]).wait()
        pltpu.make_async_copy(stab_hbm.at[pl.ds(0, L)], s_slot[k],
                              gs_sem[k]).wait()

    def store(k, i):
        b = wid * _B_PER_W + i
        pltpu.sync_copy(a_slot[k].at[pl.ds(0, L)],
                        out_hbm.at[b, pl.ds(NPRE, L), pl.ds(0, D)])
        pltpu.sync_copy(s_slot[k],
                        out_hbm.at[b, pl.ds(NPRE + L, L), pl.ds(0, D)])

    issue(0, 0)

    def body(j, carry):
        i0 = 2 * j
        issue(1, i0 + 1)
        wait(0)
        store(0, i0)
        issue(0, i0 + 2)
        wait(1)
        store(1, i0 + 1)
        return carry

    lax.fori_loop(0, _B_PER_W // 2 - 1, body, 0)
    issue(1, _B_PER_W - 1)
    wait(0)
    store(0, _B_PER_W - 2)
    wait(1)
    store(1, _B_PER_W - 1)


_TB = 256


def _ln(h, g, b, axis):
    mu = jnp.mean(h, axis=axis, keepdims=True)
    d = h - mu
    var = jnp.mean(d * d, axis=axis, keepdims=True)
    return d * lax.rsqrt(var + 1e-5) * g + b


def _gelu(x):
    return 0.5 * x * (1.0 + lax.erf(x * 0.7071067811865476))


def _tc_feat(out_in_ref, cat_ref, nf_ref, numw_ref, numb_ref, w1_ref,
             b1_ref, g_ref, be_ref, out_ref):
    w1 = w1_ref[...]
    b1 = b1_ref[...]
    g = g_ref[...]
    be = be_ref[...]
    x = cat_ref[...]
    h = lax.dot_general(x, w1, (((1,), (1,)), ((), ())),
                        preferred_element_type=jnp.float32) + b1
    fc = _ln(_gelu(h), g, be, 1).reshape(_TB, NCAT, D)
    nf = nf_ref[...]
    A = lax.dot_general(numw_ref[...], w1, (((1,), (1,)), ((), ())),
                        preferred_element_type=jnp.float32)
    c = lax.dot_general(numb_ref[...], w1, (((1,), (1,)), ((), ())),
                        preferred_element_type=jnp.float32) + b1
    hn = nf[:, :, None] * A[None] + c[None]
    fn = _ln(_gelu(hn), g[None], be[None], 2)
    feat = jnp.concatenate([fc, fn], axis=1)
    feat = jnp.concatenate(
        [feat, jnp.zeros((_TB, NPRE, D), jnp.float32)], axis=2)
    out_ref[...] = jnp.concatenate(
        [feat, out_in_ref[:, NPRE:NPRE + 1, :]], axis=1)


def _feat(out_buf, cat_rows, num_feats, num_W, num_b, W1, b1, gamma, beta):
    nblk = B // _TB
    return pl.pallas_call(
        _tc_feat,
        grid=(nblk,),
        in_specs=[
            pl.BlockSpec((_TB, NPRE + 1, DPAD), lambda i: (i, 0, 0)),
            pl.BlockSpec((_TB * NCAT, D), lambda i: (i, 0)),
            pl.BlockSpec((_TB, NNUM), lambda i: (i, 0)),
            pl.BlockSpec((NNUM, D), lambda i: (0, 0)),
            pl.BlockSpec((NNUM, D), lambda i: (0, 0)),
            pl.BlockSpec((D, D), lambda i: (0, 0)),
            pl.BlockSpec((1, D), lambda i: (0, 0)),
            pl.BlockSpec((1, D), lambda i: (0, 0)),
            pl.BlockSpec((1, D), lambda i: (0, 0)),
        ],
        out_specs=pl.BlockSpec((_TB, NPRE + 1, DPAD), lambda i: (i, 0, 0)),
        out_shape=jax.ShapeDtypeStruct((B, NPAD, DPAD), jnp.float32),
        input_output_aliases={0: 0},
    )(out_buf, cat_rows, num_feats, num_W, num_b, W1, b1, gamma, beta)


def kernel(cat_feats, num_feats, atom_history, sem_history, cat_tables,
           num_W, num_b, W1, b1, gamma, beta, atom_table, sem_table):
    cat_idx = (cat_feats.astype(jnp.int32)
               + jnp.arange(NCAT, dtype=jnp.int32)[None, :] * CATV).reshape(-1)
    atom_idx = atom_history.astype(jnp.int32).reshape(-1)
    sem_idx = sem_history.astype(jnp.int32).reshape(-1)
    cat_flat = cat_tables.reshape(NCAT * CATV, D)

    cat_rows, out_buf = _gather_all(cat_idx, cat_flat, atom_idx, sem_idx,
                                    atom_table, sem_table)
    out_buf = _feat(out_buf, cat_rows, num_feats, num_W, num_b, W1,
                    b1.reshape(1, D), gamma.reshape(1, D), beta.reshape(1, D))
    return out_buf[:, :NOUT, :D]

# --- scband reference (transcript-rebuilt; emitter-appended) ---
"""Pipeline reference for scband-unified-input-layer-70274254897593 (READ-ONLY COPY).

The authoritative reference and input builder live on the scoring server;
editing this copy changes nothing except your own understanding.
"""

import jax, jax.numpy as jnp
import numpy as np

B = 4096
D = 64
NCAT = 26
NNUM = 13
CATV = 1000
SEMV = 100000
ATOMV = 1000000 + 1
L = 200


def setup_inputs(seed: int = 0) -> dict:
    key = jax.random.key(seed)
    ks = jax.random.split(key, 12)
    cat_feats = jax.random.randint(ks[0], (B, NCAT), 0, CATV)
    num_feats = jax.random.normal(ks[1], (B, NNUM), dtype=jnp.float32)
    atom_history = jax.random.randint(ks[2], (B, L), 0, ATOMV)
    sem_history = jax.random.randint(ks[3], (B, L), 0, SEMV)
    cat_tables = jax.random.normal(ks[4], (NCAT, CATV, D), dtype=jnp.float32) * 0.02
    num_W = jax.random.normal(ks[5], (NNUM, D), dtype=jnp.float32) * 0.02
    num_b = jnp.zeros((NNUM, D), dtype=jnp.float32)
    W1 = jax.random.normal(ks[6], (D, D), dtype=jnp.float32) * 0.02
    b1 = jnp.zeros((D,), dtype=jnp.float32)
    gamma = jnp.ones((D,), dtype=jnp.float32)
    beta = jnp.zeros((D,), dtype=jnp.float32)
    atom_table = (jax.random.normal(ks[7], (ATOMV, D), dtype=jnp.float32) * 0.02).at[0].set(0.0)
    sem_table = (jax.random.normal(ks[8], (SEMV, D), dtype=jnp.float32) * 0.02).at[0].set(0.0)
    return {
        'cat_feats': cat_feats, 'num_feats': num_feats,
        'atom_history': atom_history, 'sem_history': sem_history,
        'cat_tables': cat_tables, 'num_W': num_W, 'num_b': num_b,
        'W1': W1, 'b1': b1, 'gamma': gamma, 'beta': beta,
        'atom_table': atom_table, 'sem_table': sem_table,
    }


def _layernorm(x, g, b, eps=1e-5):
    mu = jnp.mean(x, axis=-1, keepdims=True)
    var = jnp.var(x, axis=-1, keepdims=True)
    return (x - mu) / jnp.sqrt(var + eps) * g + b


def reference(cat_feats, num_feats, atom_history, sem_history,
              cat_tables, num_W, num_b, W1, b1, gamma, beta,
              atom_table, sem_table):
    # categorical profile embeddings: one table per field, gathered per-row
    cat_emb = cat_tables[jnp.arange(NCAT)[None, :], cat_feats]  # [B, NCAT, D]
    # numeric profile: per-feature Linear(1, D): x*W + b
    num_emb = num_feats[:, :, None] * num_W[None, :, :] + num_b[None, :, :]  # [B, NNUM, D]
    prefix = jnp.concatenate([cat_emb, num_emb], axis=1)  # [B, NCAT+NNUM, D]
    h = prefix @ W1.T + b1
    h = jax.nn.gelu(h, approximate=False)
    feat = _layernorm(h, gamma, beta)
    # atomic and semantic histories (padding_idx=0 -> zero rows, masked)
    atom = atom_table[atom_history] * (atom_history != 0)[..., None].astype(jnp.float32)
    sem = sem_table[sem_history] * (sem_history != 0)[..., None].astype(jnp.float32)
    return jnp.concatenate([feat, atom, sem], axis=1)  # [B, 39+200+200, D]

if __name__ == "__main__":
    import jax
    _d = setup_inputs()
    print(jax.jit(kernel)(*tuple(_d.values())))

</pallas_src>

<mosaic_0001>
#map = affine_map<(d0, d1) -> (0)>
#map1 = affine_map<(d0, d1) -> (0, 0)>
#map2 = affine_map<(d0, d1) -> (0, 0, 0)>
module attributes {stable_mosaic.version = 14 : i64} {
  func.func @_gather_all(%arg0: i32, %arg1: i32, %arg2: memref<106496xi32, #tpu.memory_space<hbm>>, %arg3: memref<26000x64xf32, #tpu.memory_space<hbm>>, %arg4: memref<819200xi32, #tpu.memory_space<hbm>>, %arg5: memref<819200xi32, #tpu.memory_space<hbm>>, %arg6: memref<1000001x64xf32, #tpu.memory_space<hbm>>, %arg7: memref<100000x64xf32, #tpu.memory_space<hbm>>, %arg8: memref<106496x64xf32, #tpu.memory_space<hbm>>, %arg9: memref<4096x440x128xf32, #tpu.memory_space<hbm>>, %arg10: memref<208x64xf32, #tpu.memory_space<vmem>>, %arg11: memref<208x64xf32, #tpu.memory_space<vmem>>, %arg12: memref<200x64xf32, #tpu.memory_space<vmem>>, %arg13: memref<200x64xf32, #tpu.memory_space<vmem>>, %arg14: memref<25600xi32, #tpu.memory_space<vmem>>, %arg15: memref<25600xi32, #tpu.memory_space<vmem>>, %arg16: memref<!tpu.dma_semaphore, #tpu.memory_space<semaphore_mem>>, %arg17: memref<!tpu.dma_semaphore, #tpu.memory_space<semaphore_mem>>, %arg18: memref<!tpu.dma_semaphore, #tpu.memory_space<semaphore_mem>>, %arg19: memref<!tpu.dma_semaphore, #tpu.memory_space<semaphore_mem>>) attributes {dimension_semantics = [#tpu.dimension_semantics<core_parallel>, #tpu.dimension_semantics<subcore_parallel>], iteration_bounds = array<i64: 2, 16>, scalar_prefetch = 0 : i64, scratch_operands = 10 : i64, tpu.core_type = #tpu.core_type<sc_vector_subcore>, window_params = [{transform_indices = #map}, {transform_indices = #map1}, {transform_indices = #map}, {transform_indices = #map}, {transform_indices = #map1}, {transform_indices = #map1}, {transform_indices = #map1}, {transform_indices = #map2}]} {
    %mul3A = arith.constant 2 : i32
    %mul3A_0 = arith.muli %arg1, %mul3A : i32
    %add3A = arith.addi %mul3A_0, %arg0 : i32
    %mul3A_1 = arith.constant 3328 : i32
    %mul3A_2 = arith.muli %add3A, %mul3A_1 : i32
    "tpu.region"() ({
      %run_scoped3A = tpu.sem_alloc : memref<!tpu.dma_semaphore, #tpu.memory_space<semaphore_mem>>
      %dma_start3A_320 = arith.constant 0 : i32
      %dma_start3A_321 = tpu.memref_slice %arg15[%dma_start3A_320] : memref<25600xi32, #tpu.memory_space<vmem>> -> memref<3328xi32, #tpu.memory_space<vmem>>
      %dma_start3A_322 = tpu.memref_slice %arg2[%mul3A_2] : memref<106496xi32, #tpu.memory_space<hbm>> -> memref<3328xi32, #tpu.memory_space<hbm>>
      %dma_start3A_323 = arith.constant 0 : i32
      %dma_start3A_324 = tpu.memref_slice %arg15[%dma_start3A_323] : memref<25600xi32, #tpu.memory_space<vmem>> -> memref<3328xi32, #tpu.memory_space<vmem>>
      %dma_start3A_325 = tpu.memref_slice %arg2[%mul3A_2] : memref<106496xi32, #tpu.memory_space<hbm>> -> memref<3328xi32, #tpu.memory_space<hbm>>
      tpu.enqueue_dma source(%dma_start3A_325 : memref<3328xi32, #tpu.memory_space<hbm>>) target(%dma_start3A_324 : memref<3328xi32, #tpu.memory_space<vmem>>) target_semaphore(%run_scoped3A : memref<!tpu.dma_semaphore, #tpu.memory_space<semaphore_mem>>)
      %dma_wait3A_326 = arith.constant 0 : i32
      %dma_wait3A_327 = tpu.memref_slice %arg15[%dma_wait3A_326] : memref<25600xi32, #tpu.memory_space<vmem>> -> memref<3328xi32, #tpu.memory_space<vmem>>
      %dma_wait3A_328 = tpu.memref_slice %arg2[%mul3A_2] : memref<106496xi32, #tpu.memory_space<hbm>> -> memref<3328xi32, #tpu.memory_space<hbm>>
      %dma_wait3A_329 = arith.constant 0 : i32
      %dma_wait3A_330 = tpu.memref_slice %arg15[%dma_wait3A_329] : memref<25600xi32, #tpu.memory_space<vmem>> -> memref<3328xi32, #tpu.memory_space<vmem>>
      %dma_wait3A_331 = tpu.memref_slice %arg2[%mul3A_2] : memref<106496xi32, #tpu.memory_space<hbm>> -> memref<3328xi32, #tpu.memory_space<hbm>>
      tpu.wait_dma2 semaphore(%run_scoped3A : memref<!tpu.dma_semaphore, #tpu.memory_space<semaphore_mem>>) src(%dma_wait3A_331 : memref<3328xi32, #tpu.memory_space<hbm>>) dst(%dma_wait3A_330 : memref<3328xi32, #tpu.memory_space<vmem>>)
      tpu.yield
    }) : () -> ()
    %dma_start3A = arith.constant 0 : i32
    %dma_start3A_3 = tpu.memref_slice %arg15[%dma_start3A] : memref<25600xi32, #tpu.memory_space<vmem>> -> memref<208xi32, #tpu.memory_space<vmem>>
    %dma_start3A_4 = arith.constant 0 : i32
    %dma_start3A_5 = arith.constant 0 : i32
    %dma_start3A_6 = tpu.memref_slice %arg3[%dma_start3A_4, %dma_start3A_5] : memref<26000x64xf32, #tpu.memory_space<hbm>> -> memref<26000x64xf32, #tpu.memory_space<hbm>>
    tpu.enqueue_indirect_dma source(%dma_start3A_6 : memref<26000x64xf32, #tpu.memory_space<hbm>>) target(%arg10 : memref<208x64xf32, #tpu.memory_space<vmem>>) offsets(%dma_start3A_3 : memref<208xi32, #tpu.memory_space<vmem>>) semaphore(%arg16 : memref<!tpu.dma_semaphore, #tpu.memory_space<semaphore_mem>>)
    %dma_start3A_7 = arith.constant 208 : i32
    %dma_start3A_8 = tpu.memref_slice %arg15[%dma_start3A_7] : memref<25600xi32, #tpu.memory_space<vmem>> -> memref<208xi32, #tpu.memory_space<vmem>>
    %dma_start3A_9 = arith.constant 0 : i32
    %dma_start3A_10 = arith.constant 0 : i32
    %dma_start3A_11 = tpu.memref_slice %arg3[%dma_start3A_9, %dma_start3A_10] : memref<26000x64xf32, #tpu.memory_space<hbm>> -> memref<26000x64xf32, #tpu.memory_space<hbm>>
    tpu.enqueue_indirect_dma source(%dma_start3A_11 : memref<26000x64xf32, #tpu.memory_space<hbm>>) target(%arg11 : memref<208x64xf32, #tpu.memory_space<vmem>>) offsets(%dma_start3A_8 : memref<208xi32, #tpu.memory_space<vmem>>) semaphore(%arg17 : memref<!tpu.dma_semaphore, #tpu.memory_space<semaphore_mem>>)
    %dma_wait3A = arith.constant 0 : i32
    %dma_wait3A_12 = arith.constant 0 : i32
    %dma_wait3A_13 = tpu.memref_slice %arg3[%dma_wait3A, %dma_wait3A_12] : memref<26000x64xf32, #tpu.memory_space<hbm>> -> memref<208x64xf32, #tpu.memory_space<hbm>>
    %dma_wait3A_14 = arith.constant 0 : i32
    %dma_wait3A_15 = arith.constant 0 : i32
    %dma_wait3A_16 = tpu.memref_slice %arg3[%dma_wait3A_14, %dma_wait3A_15] : memref<26000x64xf32, #tpu.memory_space<hbm>> -> memref<208x64xf32, #tpu.memory_space<hbm>>
    tpu.wait_dma2 semaphore(%arg16 : memref<!tpu.dma_semaphore, #tpu.memory_space<semaphore_mem>>) src(%dma_wait3A_16 : memref<208x64xf32, #tpu.memory_space<hbm>>) dst(%arg10 : memref<208x64xf32, #tpu.memory_space<vmem>>)
    %mul3A_17 = arith.constant 3328 : i32
    %mul3A_18 = arith.muli %add3A, %mul3A_17 : i32
    %add3A_19 = arith.constant 0 : i32
    %add3A_20 = arith.addi %mul3A_18, %add3A_19 : i32
    "tpu.region"() ({
      %run_scoped3A = tpu.sem_alloc : memref<!tpu.dma_semaphore, #tpu.memory_space<semaphore_mem>>
      %dma_start3A_320 = arith.constant 0 : i32
      %dma_start3A_321 = tpu.memref_slice %arg8[%add3A_20, %dma_start3A_320] : memref<106496x64xf32, #tpu.memory_space<hbm>> -> memref<208x64xf32, #tpu.memory_space<hbm>>
      %dma_start3A_322 = arith.constant 0 : i32
      %dma_start3A_323 = tpu.memref_slice %arg8[%add3A_20, %dma_start3A_322] : memref<106496x64xf32, #tpu.memory_space<hbm>> -> memref<208x64xf32, #tpu.memory_space<hbm>>
      tpu.enqueue_dma source(%arg10 : memref<208x64xf32, #tpu.memory_space<vmem>>) target(%dma_start3A_323 : memref<208x64xf32, #tpu.memory_space<hbm>>) target_semaphore(%run_scoped3A : memref<!tpu.dma_semaphore, #tpu.memory_space<semaphore_mem>>)
      %dma_wait3A_324 = arith.constant 0 : i32
      %dma_wait3A_325 = tpu.memref_slice %arg8[%add3A_20, %dma_wait3A_324] : memref<106496x64xf32, #tpu.memory_space<hbm>> -> memref<208x64xf32, #tpu.memory_space<hbm>>
      %dma_wait3A_326 = arith.constant 0 : i32
      %dma_wait3A_327 = tpu.memref_slice %arg8[%add3A_20, %dma_wait3A_326] : memref<106496x64xf32, #tpu.memory_space<hbm>> -> memref<208x64xf32, #tpu.memory_space<hbm>>
      tpu.wait_dma2 semaphore(%run_scoped3A : memref<!tpu.dma_semaphore, #tpu.memory_space<semaphore_mem>>) src(%arg10 : memref<208x64xf32, #tpu.memory_space<vmem>>) dst(%dma_wait3A_327 : memref<208x64xf32, #tpu.memory_space<hbm>>)
      tpu.yield
    }) : () -> ()
    %dma_start3A_21 = arith.constant 416 : i32
    %dma_start3A_22 = tpu.memref_slice %arg15[%dma_start3A_21] : memref<25600xi32, #tpu.memory_space<vmem>> -> memref<208xi32, #tpu.memory_space<vmem>>
    %dma_start3A_23 = arith.constant 0 : i32
    %dma_start3A_24 = arith.constant 0 : i32
    %dma_start3A_25 = tpu.memref_slice %arg3[%dma_start3A_23, %dma_start3A_24] : memref<26000x64xf32, #tpu.memory_space<hbm>> -> memref<26000x64xf32, #tpu.memory_space<hbm>>
    tpu.enqueue_indirect_dma source(%dma_start3A_25 : memref<26000x64xf32, #tpu.memory_space<hbm>>) target(%arg10 : memref<208x64xf32, #tpu.memory_space<vmem>>) offsets(%dma_start3A_22 : memref<208xi32, #tpu.memory_space<vmem>>) semaphore(%arg16 : memref<!tpu.dma_semaphore, #tpu.memory_space<semaphore_mem>>)
    %dma_wait3A_26 = arith.constant 0 : i32
    %dma_wait3A_27 = arith.constant 0 : i32
    %dma_wait3A_28 = tpu.memref_slice %arg3[%dma_wait3A_26, %dma_wait3A_27] : memref<26000x64xf32, #tpu.memory_space<hbm>> -> memref<208x64xf32, #tpu.memory_space<hbm>>
    %dma_wait3A_29 = arith.constant 0 : i32
    %dma_wait3A_30 = arith.constant 0 : i32
    %dma_wait3A_31 = tpu.memref_slice %arg3[%dma_wait3A_29, %dma_wait3A_30] : memref<26000x64xf32, #tpu.memory_space<hbm>> -> memref<208x64xf32, #tpu.memory_space<hbm>>
    tpu.wait_dma2 semaphore(%arg17 : memref<!tpu.dma_semaphore, #tpu.memory_space<semaphore_mem>>) src(%dma_wait3A_31 : memref<208x64xf32, #tpu.memory_space<hbm>>) dst(%arg11 : memref<208x64xf32, #tpu.memory_space<vmem>>)
    %mul3A_32 = arith.constant 3328 : i32
    %mul3A_33 = arith.muli %add3A, %mul3A_32 : i32
    %add3A_34 = arith.constant 208 : i32
    %add3A_35 = arith.addi %mul3A_33, %add3A_34 : i32
    "tpu.region"() ({
      %run_scoped3A = tpu.sem_alloc : memref<!tpu.dma_semaphore, #tpu.memory_space<semaphore_mem>>
      %dma_start3A_320 = arith.constant 0 : i32
      %dma_start3A_321 = tpu.memref_slice %arg8[%add3A_35, %dma_start3A_320] : memref<106496x64xf32, #tpu.memory_space<hbm>> -> memref<208x64xf32, #tpu.memory_space<hbm>>
      %dma_start3A_322 = arith.constant 0 : i32
      %dma_start3A_323 = tpu.memref_slice %arg8[%add3A_35, %dma_start3A_322] : memref<106496x64xf32, #tpu.memory_space<hbm>> -> memref<208x64xf32, #tpu.memory_space<hbm>>
      tpu.enqueue_dma source(%arg11 : memref<208x64xf32, #tpu.memory_space<vmem>>) target(%dma_start3A_323 : memref<208x64xf32, #tpu.memory_space<hbm>>) target_semaphore(%run_scoped3A : memref<!tpu.dma_semaphore, #tpu.memory_space<semaphore_mem>>)
      %dma_wait3A_324 = arith.constant 0 : i32
      %dma_wait3A_325 = tpu.memref_slice %arg8[%add3A_35, %dma_wait3A_324] : memref<106496x64xf32, #tpu.memory_space<hbm>> -> memref<208x64xf32, #tpu.memory_space<hbm>>
      %dma_wait3A_326 = arith.constant 0 : i32
      %dma_wait3A_327 = tpu.memref_slice %arg8[%add3A_35, %dma_wait3A_326] : memref<106496x64xf32, #tpu.memory_space<hbm>> -> memref<208x64xf32, #tpu.memory_space<hbm>>
      tpu.wait_dma2 semaphore(%run_scoped3A : memref<!tpu.dma_semaphore, #tpu.memory_space<semaphore_mem>>) src(%arg11 : memref<208x64xf32, #tpu.memory_space<vmem>>) dst(%dma_wait3A_327 : memref<208x64xf32, #tpu.memory_space<hbm>>)
      tpu.yield
    }) : () -> ()
    %dma_start3A_36 = arith.constant 624 : i32
    %dma_start3A_37 = tpu.memref_slice %arg15[%dma_start3A_36] : memref<25600xi32, #tpu.memory_space<vmem>> -> memref<208xi32, #tpu.memory_space<vmem>>
    %dma_start3A_38 = arith.constant 0 : i32
    %dma_start3A_39 = arith.constant 0 : i32
    %dma_start3A_40 = tpu.memref_slice %arg3[%dma_start3A_38, %dma_start3A_39] : memref<26000x64xf32, #tpu.memory_space<hbm>> -> memref<26000x64xf32, #tpu.memory_space<hbm>>
    tpu.enqueue_indirect_dma source(%dma_start3A_40 : memref<26000x64xf32, #tpu.memory_space<hbm>>) target(%arg11 : memref<208x64xf32, #tpu.memory_space<vmem>>) offsets(%dma_start3A_37 : memref<208xi32, #tpu.memory_space<vmem>>) semaphore(%arg17 : memref<!tpu.dma_semaphore, #tpu.memory_space<semaphore_mem>>)
    %dma_wait3A_41 = arith.constant 0 : i32
    %dma_wait3A_42 = arith.constant 0 : i32
    %dma_wait3A_43 = tpu.memref_slice %arg3[%dma_wait3A_41, %dma_wait3A_42] : memref<26000x64xf32, #tpu.memory_space<hbm>> -> memref<208x64xf32, #tpu.memory_space<hbm>>
    %dma_wait3A_44 = arith.constant 0 : i32
    %dma_wait3A_45 = arith.constant 0 : i32
    %dma_wait3A_46 = tpu.memref_slice %arg3[%dma_wait3A_44, %dma_wait3A_45] : memref<26000x64xf32, #tpu.memory_space<hbm>> -> memref<208x64xf32, #tpu.memory_space<hbm>>
    tpu.wait_dma2 semaphore(%arg16 : memref<!tpu.dma_semaphore, #tpu.memory_space<semaphore_mem>>) src(%dma_wait3A_46 : memref<208x64xf32, #tpu.memory_space<hbm>>) dst(%arg10 : memref<208x64xf32, #tpu.memory_space<vmem>>)
    %mul3A_47 = arith.constant 3328 : i32
    %mul3A_48 = arith.muli %add3A, %mul3A_47 : i32
    %add3A_49 = arith.constant 416 : i32
    %add3A_50 = arith.addi %mul3A_48, %add3A_49 : i32
    "tpu.region"() ({
      %run_scoped3A = tpu.sem_alloc : memref<!tpu.dma_semaphore, #tpu.memory_space<semaphore_mem>>
      %dma_start3A_320 = arith.constant 0 : i32
      %dma_start3A_321 = tpu.memref_slice %arg8[%add3A_50, %dma_start3A_320] : memref<106496x64xf32, #tpu.memory_space<hbm>> -> memref<208x64xf32, #tpu.memory_space<hbm>>
      %dma_start3A_322 = arith.constant 0 : i32
      %dma_start3A_323 = tpu.memref_slice %arg8[%add3A_50, %dma_start3A_322] : memref<106496x64xf32, #tpu.memory_space<hbm>> -> memref<208x64xf32, #tpu.memory_space<hbm>>
      tpu.enqueue_dma source(%arg10 : memref<208x64xf32, #tpu.memory_space<vmem>>) target(%dma_start3A_323 : memref<208x64xf32, #tpu.memory_space<hbm>>) target_semaphore(%run_scoped3A : memref<!tpu.dma_semaphore, #tpu.memory_space<semaphore_mem>>)
      %dma_wait3A_324 = arith.constant 0 : i32
      %dma_wait3A_325 = tpu.memref_slice %arg8[%add3A_50, %dma_wait3A_324] : memref<106496x64xf32, #tpu.memory_space<hbm>> -> memref<208x64xf32, #tpu.memory_space<hbm>>
      %dma_wait3A_326 = arith.constant 0 : i32
      %dma_wait3A_327 = tpu.memref_slice %arg8[%add3A_50, %dma_wait3A_326] : memref<106496x64xf32, #tpu.memory_space<hbm>> -> memref<208x64xf32, #tpu.memory_space<hbm>>
      tpu.wait_dma2 semaphore(%run_scoped3A : memref<!tpu.dma_semaphore, #tpu.memory_space<semaphore_mem>>) src(%arg10 : memref<208x64xf32, #tpu.memory_space<vmem>>) dst(%dma_wait3A_327 : memref<208x64xf32, #tpu.memory_space<hbm>>)
      tpu.yield
    }) : () -> ()
    %dma_start3A_51 = arith.constant 832 : i32
    %dma_start3A_52 = tpu.memref_slice %arg15[%dma_start3A_51] : memref<25600xi32, #tpu.memory_space<vmem>> -> memref<208xi32, #tpu.memory_space<vmem>>
    %dma_start3A_53 = arith.constant 0 : i32
    %dma_start3A_54 = arith.constant 0 : i32
    %dma_start3A_55 = tpu.memref_slice %arg3[%dma_start3A_53, %dma_start3A_54] : memref<26000x64xf32, #tpu.memory_space<hbm>> -> memref<26000x64xf32, #tpu.memory_space<hbm>>
    tpu.enqueue_indirect_dma source(%dma_start3A_55 : memref<26000x64xf32, #tpu.memory_space<hbm>>) target(%arg10 : memref<208x64xf32, #tpu.memory_space<vmem>>) offsets(%dma_start3A_52 : memref<208xi32, #tpu.memory_space<vmem>>) semaphore(%arg16 : memref<!tpu.dma_semaphore, #tpu.memory_space<semaphore_mem>>)
    %dma_wait3A_56 = arith.constant 0 : i32
    %dma_wait3A_57 = arith.constant 0 : i32
    %dma_wait3A_58 = tpu.memref_slice %arg3[%dma_wait3A_56, %dma_wait3A_57] : memref<26000x64xf32, #tpu.memory_space<hbm>> -> memref<208x64xf32, #tpu.memory_space<hbm>>
    %dma_wait3A_59 = arith.constant 0 : i32
    %dma_wait3A_60 = arith.constant 0 : i32
    %dma_wait3A_61 = tpu.memref_slice %arg3[%dma_wait3A_59, %dma_wait3A_60] : memref<26000x64xf32, #tpu.memory_space<hbm>> -> memref<208x64xf32, #tpu.memory_space<hbm>>
    tpu.wait_dma2 semaphore(%arg17 : memref<!tpu.dma_semaphore, #tpu.memory_space<semaphore_mem>>) src(%dma_wait3A_61 : memref<208x64xf32, #tpu.memory_space<hbm>>) dst(%arg11 : memref<208x64xf32, #tpu.memory_space<vmem>>)
    %mul3A_62 = arith.constant 3328 : i32
    %mul3A_63 = arith.muli %add3A, %mul3A_62 : i32
    %add3A_64 = arith.constant 624 : i32
    %add3A_65 = arith.addi %mul3A_63, %add3A_64 : i32
    "tpu.region"() ({
      %run_scoped3A = tpu.sem_alloc : memref<!tpu.dma_semaphore, #tpu.memory_space<semaphore_mem>>
      %dma_start3A_320 = arith.constant 0 : i32
      %dma_start3A_321 = tpu.memref_slice %arg8[%add3A_65, %dma_start3A_320] : memref<106496x64xf32, #tpu.memory_space<hbm>> -> memref<208x64xf32, #tpu.memory_space<hbm>>
      %dma_start3A_322 = arith.constant 0 : i32
      %dma_start3A_323 = tpu.memref_slice %arg8[%add3A_65, %dma_start3A_322] : memref<106496x64xf32, #tpu.memory_space<hbm>> -> memref<208x64xf32, #tpu.memory_space<hbm>>
      tpu.enqueue_dma source(%arg11 : memref<208x64xf32, #tpu.memory_space<vmem>>) target(%dma_start3A_323 : memref<208x64xf32, #tpu.memory_space<hbm>>) target_semaphore(%run_scoped3A : memref<!tpu.dma_semaphore, #tpu.memory_space<semaphore_mem>>)
      %dma_wait3A_324 = arith.constant 0 : i32
      %dma_wait3A_325 = tpu.memref_slice %arg8[%add3A_65, %dma_wait3A_324] : memref<106496x64xf32, #tpu.memory_space<hbm>> -> memref<208x64xf32, #tpu.memory_space<hbm>>
      %dma_wait3A_326 = arith.constant 0 : i32
      %dma_wait3A_327 = tpu.memref_slice %arg8[%add3A_65, %dma_wait3A_326] : memref<106496x64xf32, #tpu.memory_space<hbm>> -> memref<208x64xf32, #tpu.memory_space<hbm>>
      tpu.wait_dma2 semaphore(%run_scoped3A : memref<!tpu.dma_semaphore, #tpu.memory_space<semaphore_mem>>) src(%arg11 : memref<208x64xf32, #tpu.memory_space<vmem>>) dst(%dma_wait3A_327 : memref<208x64xf32, #tpu.memory_space<hbm>>)
      tpu.yield
    }) : () -> ()
    %dma_start3A_66 = arith.constant 1040 : i32
    %dma_start3A_67 = tpu.memref_slice %arg15[%dma_start3A_66] : memref<25600xi32, #tpu.memory_space<vmem>> -> memref<208xi32, #tpu.memory_space<vmem>>
    %dma_start3A_68 = arith.constant 0 : i32
    %dma_start3A_69 = arith.constant 0 : i32
    %dma_start3A_70 = tpu.memref_slice %arg3[%dma_start3A_68, %dma_start3A_69] : memref<26000x64xf32, #tpu.memory_space<hbm>> -> memref<26000x64xf32, #tpu.memory_space<hbm>>
    tpu.enqueue_indirect_dma source(%dma_start3A_70 : memref<26000x64xf32, #tpu.memory_space<hbm>>) target(%arg11 : memref<208x64xf32, #tpu.memory_space<vmem>>) offsets(%dma_start3A_67 : memref<208xi32, #tpu.memory_space<vmem>>) semaphore(%arg17 : memref<!tpu.dma_semaphore, #tpu.memory_space<semaphore_mem>>)
    %dma_wait3A_71 = arith.constant 0 : i32
    %dma_wait3A_72 = arith.constant 0 : i32
    %dma_wait3A_73 = tpu.memref_slice %arg3[%dma_wait3A_71, %dma_wait3A_72] : memref<26000x64xf32, #tpu.memory_space<hbm>> -> memref<208x64xf32, #tpu.memory_space<hbm>>
    %dma_wait3A_74 = arith.constant 0 : i32
    %dma_wait3A_75 = arith.constant 0 : i32
    %dma_wait3A_76 = tpu.memref_slice %arg3[%dma_wait3A_74, %dma_wait3A_75] : memref<26000x64xf32, #tpu.memory_space<hbm>> -> memref<208x64xf32, #tpu.memory_space<hbm>>
    tpu.wait_dma2 semaphore(%arg16 : memref<!tpu.dma_semaphore, #tpu.memory_space<semaphore_mem>>) src(%dma_wait3A_76 : memref<208x64xf32, #tpu.memory_space<hbm>>) dst(%arg10 : memref<208x64xf32, #tpu.memory_space<vmem>>)
    %mul3A_77 = arith.constant 3328 : i32
    %mul3A_78 = arith.muli %add3A, %mul3A_77 : i32
    %add3A_79 = arith.constant 832 : i32
    %add3A_80 = arith.addi %mul3A_78, %add3A_79 : i32
    "tpu.region"() ({
      %run_scoped3A = tpu.sem_alloc : memref<!tpu.dma_semaphore, #tpu.memory_space<semaphore_mem>>
      %dma_start3A_320 = arith.constant 0 : i32
      %dma_start3A_321 = tpu.memref_slice %arg8[%add3A_80, %dma_start3A_320] : memref<106496x64xf32, #tpu.memory_space<hbm>> -> memref<208x64xf32, #tpu.memory_space<hbm>>
      %dma_start3A_322 = arith.constant 0 : i32
      %dma_start3A_323 = tpu.memref_slice %arg8[%add3A_80, %dma_start3A_322] : memref<106496x64xf32, #tpu.memory_space<hbm>> -> memref<208x64xf32, #tpu.memory_space<hbm>>
      tpu.enqueue_dma source(%arg10 : memref<208x64xf32, #tpu.memory_space<vmem>>) target(%dma_start3A_323 : memref<208x64xf32, #tpu.memory_space<hbm>>) target_semaphore(%run_scoped3A : memref<!tpu.dma_semaphore, #tpu.memory_space<semaphore_mem>>)
      %dma_wait3A_324 = arith.constant 0 : i32
      %dma_wait3A_325 = tpu.memref_slice %arg8[%add3A_80, %dma_wait3A_324] : memref<106496x64xf32, #tpu.memory_space<hbm>> -> memref<208x64xf32, #tpu.memory_space<hbm>>
      %dma_wait3A_326 = arith.constant 0 : i32
      %dma_wait3A_327 = tpu.memref_slice %arg8[%add3A_80, %dma_wait3A_326] : memref<106496x64xf32, #tpu.memory_space<hbm>> -> memref<208x64xf32, #tpu.memory_space<hbm>>
      tpu.wait_dma2 semaphore(%run_scoped3A : memref<!tpu.dma_semaphore, #tpu.memory_space<semaphore_mem>>) src(%arg10 : memref<208x64xf32, #tpu.memory_space<vmem>>) dst(%dma_wait3A_327 : memref<208x64xf32, #tpu.memory_space<hbm>>)
      tpu.yield
    }) : () -> ()
    %dma_start3A_81 = arith.constant 1248 : i32
    %dma_start3A_82 = tpu.memref_slice %arg15[%dma_start3A_81] : memref<25600xi32, #tpu.memory_space<vmem>> -> memref<208xi32, #tpu.memory_space<vmem>>
    %dma_start3A_83 = arith.constant 0 : i32
    %dma_start3A_84 = arith.constant 0 : i32
    %dma_start3A_85 = tpu.memref_slice %arg3[%dma_start3A_83, %dma_start3A_84] : memref<26000x64xf32, #tpu.memory_space<hbm>> -> memref<26000x64xf32, #tpu.memory_space<hbm>>
    tpu.enqueue_indirect_dma source(%dma_start3A_85 : memref<26000x64xf32, #tpu.memory_space<hbm>>) target(%arg10 : memref<208x64xf32, #tpu.memory_space<vmem>>) offsets(%dma_start3A_82 : memref<208xi32, #tpu.memory_space<vmem>>) semaphore(%arg16 : memref<!tpu.dma_semaphore, #tpu.memory_space<semaphore_mem>>)
    %dma_wait3A_86 = arith.constant 0 : i32
    %dma_wait3A_87 = arith.constant 0 : i32
    %dma_wait3A_88 = tpu.memref_slice %arg3[%dma_wait3A_86, %dma_wait3A_87] : memref<26000x64xf32, #tpu.memory_space<hbm>> -> memref<208x64xf32, #tpu.memory_space<hbm>>
    %dma_wait3A_89 = arith.constant 0 : i32
    %dma_wait3A_90 = arith.constant 0 : i32
    %dma_wait3A_91 = tpu.memref_slice %arg3[%dma_wait3A_89, %dma_wait3A_90] : memref<26000x64xf32, #tpu.memory_space<hbm>> -> memref<208x64xf32, #tpu.memory_space<hbm>>
    tpu.wait_dma2 semaphore(%arg17 : memref<!tpu.dma_semaphore, #tpu.memory_space<semaphore_mem>>) src(%dma_wait3A_91 : memref<208x64xf32, #tpu.memory_space<hbm>>) dst(%arg11 : memref<208x64xf32, #tpu.memory_space<vmem>>)
    %mul3A_92 = arith.constant 3328 : i32
    %mul3A_93 = arith.muli %add3A, %mul3A_92 : i32
    %add3A_94 = arith.constant 1040 : i32
    %add3A_95 = arith.addi %mul3A_93, %add3A_94 : i32
    "tpu.region"() ({
      %run_scoped3A = tpu.sem_alloc : memref<!tpu.dma_semaphore, #tpu.memory_space<semaphore_mem>>
      %dma_start3A_320 = arith.constant 0 : i32
      %dma_start3A_321 = tpu.memref_slice %arg8[%add3A_95, %dma_start3A_320] : memref<106496x64xf32, #tpu.memory_space<hbm>> -> memref<208x64xf32, #tpu.memory_space<hbm>>
      %dma_start3A_322 = arith.constant 0 : i32
      %dma_start3A_323 = tpu.memref_slice %arg8[%add3A_95, %dma_start3A_322] : memref<106496x64xf32, #tpu.memory_space<hbm>> -> memref<208x64xf32, #tpu.memory_space<hbm>>
      tpu.enqueue_dma source(%arg11 : memref<208x64xf32, #tpu.memory_space<vmem>>) target(%dma_start3A_323 : memref<208x64xf32, #tpu.memory_space<hbm>>) target_semaphore(%run_scoped3A : memref<!tpu.dma_semaphore, #tpu.memory_space<semaphore_mem>>)
      %dma_wait3A_324 = arith.constant 0 : i32
      %dma_wait3A_325 = tpu.memref_slice %arg8[%add3A_95, %dma_wait3A_324] : memref<106496x64xf32, #tpu.memory_space<hbm>> -> memref<208x64xf32, #tpu.memory_space<hbm>>
      %dma_wait3A_326 = arith.constant 0 : i32
      %dma_wait3A_327 = tpu.memref_slice %arg8[%add3A_95, %dma_wait3A_326] : memref<106496x64xf32, #tpu.memory_space<hbm>> -> memref<208x64xf32, #tpu.memory_space<hbm>>
      tpu.wait_dma2 semaphore(%run_scoped3A : memref<!tpu.dma_semaphore, #tpu.memory_space<semaphore_mem>>) src(%arg11 : memref<208x64xf32, #tpu.memory_space<vmem>>) dst(%dma_wait3A_327 : memref<208x64xf32, #tpu.memory_space<hbm>>)
      tpu.yield
    }) : () -> ()
    %dma_start3A_96 = arith.constant 1456 : i32
    %dma_start3A_97 = tpu.memref_slice %arg15[%dma_start3A_96] : memref<25600xi32, #tpu.memory_space<vmem>> -> memref<208xi32, #tpu.memory_space<vmem>>
    %dma_start3A_98 = arith.constant 0 : i32
    %dma_start3A_99 = arith.constant 0 : i32
    %dma_start3A_100 = tpu.memref_slice %arg3[%dma_start3A_98, %dma_start3A_99] : memref<26000x64xf32, #tpu.memory_space<hbm>> -> memref<26000x64xf32, #tpu.memory_space<hbm>>
    tpu.enqueue_indirect_dma source(%dma_start3A_100 : memref<26000x64xf32, #tpu.memory_space<hbm>>) target(%arg11 : memref<208x64xf32, #tpu.memory_space<vmem>>) offsets(%dma_start3A_97 : memref<208xi32, #tpu.memory_space<vmem>>) semaphore(%arg17 : memref<!tpu.dma_semaphore, #tpu.memory_space<semaphore_mem>>)
    %dma_wait3A_101 = arith.constant 0 : i32
    %dma_wait3A_102 = arith.constant 0 : i32
    %dma_wait3A_103 = tpu.memref_slice %arg3[%dma_wait3A_101, %dma_wait3A_102] : memref<26000x64xf32, #tpu.memory_space<hbm>> -> memref<208x64xf32, #tpu.memory_space<hbm>>
    %dma_wait3A_104 = arith.constant 0 : i32
    %dma_wait3A_105 = arith.constant 0 : i32
    %dma_wait3A_106 = tpu.memref_slice %arg3[%dma_wait3A_104, %dma_wait3A_105] : memref<26000x64xf32, #tpu.memory_space<hbm>> -> memref<208x64xf32, #tpu.memory_space<hbm>>
    tpu.wait_dma2 semaphore(%arg16 : memref<!tpu.dma_semaphore, #tpu.memory_space<semaphore_mem>>) src(%dma_wait3A_106 : memref<208x64xf32, #tpu.memory_space<hbm>>) dst(%arg10 : memref<208x64xf32, #tpu.memory_space<vmem>>)
    %mul3A_107 = arith.constant 3328 : i32
    %mul3A_108 = arith.muli %add3A, %mul3A_107 : i32
    %add3A_109 = arith.constant 1248 : i32
    %add3A_110 = arith.addi %mul3A_108, %add3A_109 : i32
    "tpu.region"() ({
      %run_scoped3A = tpu.sem_alloc : memref<!tpu.dma_semaphore, #tpu.memory_space<semaphore_mem>>
      %dma_start3A_320 = arith.constant 0 : i32
      %dma_start3A_321 = tpu.memref_slice %arg8[%add3A_110, %dma_start3A_320] : memref<106496x64xf32, #tpu.memory_space<hbm>> -> memref<208x64xf32, #tpu.memory_space<hbm>>
      %dma_start3A_322 = arith.constant 0 : i32
      %dma_start3A_323 = tpu.memref_slice %arg8[%add3A_110, %dma_start3A_322] : memref<106496x64xf32, #tpu.memory_space<hbm>> -> memref<208x64xf32, #tpu.memory_space<hbm>>
      tpu.enqueue_dma source(%arg10 : memref<208x64xf32, #tpu.memory_space<vmem>>) target(%dma_start3A_323 : memref<208x64xf32, #tpu.memory_space<hbm>>) target_semaphore(%run_scoped3A : memref<!tpu.dma_semaphore, #tpu.memory_space<semaphore_mem>>)
      %dma_wait3A_324 = arith.constant 0 : i32
      %dma_wait3A_325 = tpu.memref_slice %arg8[%add3A_110, %dma_wait3A_324] : memref<106496x64xf32, #tpu.memory_space<hbm>> -> memref<208x64xf32, #tpu.memory_space<hbm>>
      %dma_wait3A_326 = arith.constant 0 : i32
      %dma_wait3A_327 = tpu.memref_slice %arg8[%add3A_110, %dma_wait3A_326] : memref<106496x64xf32, #tpu.memory_space<hbm>> -> memref<208x64xf32, #tpu.memory_space<hbm>>
      tpu.wait_dma2 semaphore(%run_scoped3A : memref<!tpu.dma_semaphore, #tpu.memory_space<semaphore_mem>>) src(%arg10 : memref<208x64xf32, #tpu.memory_space<vmem>>) dst(%dma_wait3A_327 : memref<208x64xf32, #tpu.memory_space<hbm>>)
      tpu.yield
    }) : () -> ()
    %dma_start3A_111 = arith.constant 1664 : i32
    %dma_start3A_112 = tpu.memref_slice %arg15[%dma_start3A_111] : memref<25600xi32, #tpu.memory_space<vmem>> -> memref<208xi32, #tpu.memory_space<vmem>>
    %dma_start3A_113 = arith.constant 0 : i32
    %dma_start3A_114 = arith.constant 0 : i32
    %dma_start3A_115 = tpu.memref_slice %arg3[%dma_start3A_113, %dma_start3A_114] : memref<26000x64xf32, #tpu.memory_space<hbm>> -> memref<26000x64xf32, #tpu.memory_space<hbm>>
    tpu.enqueue_indirect_dma source(%dma_start3A_115 : memref<26000x64xf32, #tpu.memory_space<hbm>>) target(%arg10 : memref<208x64xf32, #tpu.memory_space<vmem>>) offsets(%dma_start3A_112 : memref<208xi32, #tpu.memory_space<vmem>>) semaphore(%arg16 : memref<!tpu.dma_semaphore, #tpu.memory_space<semaphore_mem>>)
    %dma_wait3A_116 = arith.constant 0 : i32
    %dma_wait3A_117 = arith.constant 0 : i32
    %dma_wait3A_118 = tpu.memref_slice %arg3[%dma_wait3A_116, %dma_wait3A_117] : memref<26000x64xf32, #tpu.memory_space<hbm>> -> memref<208x64xf32, #tpu.memory_space<hbm>>
    %dma_wait3A_119 = arith.constant 0 : i32
    %dma_wait3A_120 = arith.constant 0 : i32
    %dma_wait3A_121 = tpu.memref_slice %arg3[%dma_wait3A_119, %dma_wait3A_120] : memref<26000x64xf32, #tpu.memory_space<hbm>> -> memref<208x64xf32, #tpu.memory_space<hbm>>
    tpu.wait_dma2 semaphore(%arg17 : memref<!tpu.dma_semaphore, #tpu.memory_space<semaphore_mem>>) src(%dma_wait3A_121 : memref<208x64xf32, #tpu.memory_space<hbm>>) dst(%arg11 : memref<208x64xf32, #tpu.memory_space<vmem>>)
    %mul3A_122 = arith.constant 3328 : i32
    %mul3A_123 = arith.muli %add3A, %mul3A_122 : i32
    %add3A_124 = arith.constant 1456 : i32
    %add3A_125 = arith.addi %mul3A_123, %add3A_124 : i32
    "tpu.region"() ({
      %run_scoped3A = tpu.sem_alloc : memref<!tpu.dma_semaphore, #tpu.memory_space<semaphore_mem>>
      %dma_start3A_320 = arith.constant 0 : i32
      %dma_start3A_321 = tpu.memref_slice %arg8[%add3A_125, %dma_start3A_320] : memref<106496x64xf32, #tpu.memory_space<hbm>> -> memref<208x64xf32, #tpu.memory_space<hbm>>
      %dma_start3A_322 = arith.constant 0 : i32
      %dma_start3A_323 = tpu.memref_slice %arg8[%add3A_125, %dma_start3A_322] : memref<106496x64xf32, #tpu.memory_space<hbm>> -> memref<208x64xf32, #tpu.memory_space<hbm>>
      tpu.enqueue_dma source(%arg11 : memref<208x64xf32, #tpu.memory_space<vmem>>) target(%dma_start3A_323 : memref<208x64xf32, #tpu.memory_space<hbm>>) target_semaphore(%run_scoped3A : memref<!tpu.dma_semaphore, #tpu.memory_space<semaphore_mem>>)
      %dma_wait3A_324 = arith.constant 0 : i32
      %dma_wait3A_325 = tpu.memref_slice %arg8[%add3A_125, %dma_wait3A_324] : memref<106496x64xf32, #tpu.memory_space<hbm>> -> memref<208x64xf32, #tpu.memory_space<hbm>>
      %dma_wait3A_326 = arith.constant 0 : i32
      %dma_wait3A_327 = tpu.memref_slice %arg8[%add3A_125, %dma_wait3A_326] : memref<106496x64xf32, #tpu.memory_space<hbm>> -> memref<208x64xf32, #tpu.memory_space<hbm>>
      tpu.wait_dma2 semaphore(%run_scoped3A : memref<!tpu.dma_semaphore, #tpu.memory_space<semaphore_mem>>) src(%arg11 : memref<208x64xf32, #tpu.memory_space<vmem>>) dst(%dma_wait3A_327 : memref<208x64xf32, #tpu.memory_space<hbm>>)
      tpu.yield
    }) : () -> ()
    %dma_start3A_126 = arith.constant 1872 : i32
    %dma_start3A_127 = tpu.memref_slice %arg15[%dma_start3A_126] : memref<25600xi32, #tpu.memory_space<vmem>> -> memref<208xi32, #tpu.memory_space<vmem>>
    %dma_start3A_128 = arith.constant 0 : i32
    %dma_start3A_129 = arith.constant 0 : i32
    %dma_start3A_130 = tpu.memref_slice %arg3[%dma_start3A_128, %dma_start3A_129] : memref<26000x64xf32, #tpu.memory_space<hbm>> -> memref<26000x64xf32, #tpu.memory_space<hbm>>
    tpu.enqueue_indirect_dma source(%dma_start3A_130 : memref<26000x64xf32, #tpu.memory_space<hbm>>) target(%arg11 : memref<208x64xf32, #tpu.memory_space<vmem>>) offsets(%dma_start3A_127 : memref<208xi32, #tpu.memory_space<vmem>>) semaphore(%arg17 : memref<!tpu.dma_semaphore, #tpu.memory_space<semaphore_mem>>)
    %dma_wait3A_131 = arith.constant 0 : i32
    %dma_wait3A_132 = arith.constant 0 : i32
    %dma_wait3A_133 = tpu.memref_slice %arg3[%dma_wait3A_131, %dma_wait3A_132] : memref<26000x64xf32, #tpu.memory_space<hbm>> -> memref<208x64xf32, #tpu.memory_space<hbm>>
    %dma_wait3A_134 = arith.constant 0 : i32
    %dma_wait3A_135 = arith.constant 0 : i32
    %dma_wait3A_136 = tpu.memref_slice %arg3[%dma_wait3A_134, %dma_wait3A_135] : memref<26000x64xf32, #tpu.memory_space<hbm>> -> memref<208x64xf32, #tpu.memory_space<hbm>>
    tpu.wait_dma2 semaphore(%arg16 : memref<!tpu.dma_semaphore, #tpu.memory_space<semaphore_mem>>) src(%dma_wait3A_136 : memref<208x64xf32, #tpu.memory_space<hbm>>) dst(%arg10 : memref<208x64xf32, #tpu.memory_space<vmem>>)
    %mul3A_137 = arith.constant 3328 : i32
    %mul3A_138 = arith.muli %add3A, %mul3A_137 : i32
    %add3A_139 = arith.constant 1664 : i32
    %add3A_140 = arith.addi %mul3A_138, %add3A_139 : i32
    "tpu.region"() ({
      %run_scoped3A = tpu.sem_alloc : memref<!tpu.dma_semaphore, #tpu.memory_space<semaphore_mem>>
      %dma_start3A_320 = arith.constant 0 : i32
      %dma_start3A_321 = tpu.memref_slice %arg8[%add3A_140, %dma_start3A_320] : memref<106496x64xf32, #tpu.memory_space<hbm>> -> memref<208x64xf32, #tpu.memory_space<hbm>>
      %dma_start3A_322 = arith.constant 0 : i32
      %dma_start3A_323 = tpu.memref_slice %arg8[%add3A_140, %dma_start3A_322] : memref<106496x64xf32, #tpu.memory_space<hbm>> -> memref<208x64xf32, #tpu.memory_space<hbm>>
      tpu.enqueue_dma source(%arg10 : memref<208x64xf32, #tpu.memory_space<vmem>>) target(%dma_start3A_323 : memref<208x64xf32, #tpu.memory_space<hbm>>) target_semaphore(%run_scoped3A : memref<!tpu.dma_semaphore, #tpu.memory_space<semaphore_mem>>)
      %dma_wait3A_324 = arith.constant 0 : i32
      %dma_wait3A_325 = tpu.memref_slice %arg8[%add3A_140, %dma_wait3A_324] : memref<106496x64xf32, #tpu.memory_space<hbm>> -> memref<208x64xf32, #tpu.memory_space<hbm>>
      %dma_wait3A_326 = arith.constant 0 : i32
      %dma_wait3A_327 = tpu.memref_slice %arg8[%add3A_140, %dma_wait3A_326] : memref<106496x64xf32, #tpu.memory_space<hbm>> -> memref<208x64xf32, #tpu.memory_space<hbm>>
      tpu.wait_dma2 semaphore(%run_scoped3A : memref<!tpu.dma_semaphore, #tpu.memory_space<semaphore_mem>>) src(%arg10 : memref<208x64xf32, #tpu.memory_space<vmem>>) dst(%dma_wait3A_327 : memref<208x64xf32, #tpu.memory_space<hbm>>)
      tpu.yield
    }) : () -> ()
    %dma_start3A_141 = arith.constant 2080 : i32
    %dma_start3A_142 = tpu.memref_slice %arg15[%dma_start3A_141] : memref<25600xi32, #tpu.memory_space<vmem>> -> memref<208xi32, #tpu.memory_space<vmem>>
    %dma_start3A_143 = arith.constant 0 : i32
    %dma_start3A_144 = arith.constant 0 : i32
    %dma_start3A_145 = tpu.memref_slice %arg3[%dma_start3A_143, %dma_start3A_144] : memref<26000x64xf32, #tpu.memory_space<hbm>> -> memref<26000x64xf32, #tpu.memory_space<hbm>>
    tpu.enqueue_indirect_dma source(%dma_start3A_145 : memref<26000x64xf32, #tpu.memory_space<hbm>>) target(%arg10 : memref<208x64xf32, #tpu.memory_space<vmem>>) offsets(%dma_start3A_142 : memref<208xi32, #tpu.memory_space<vmem>>) semaphore(%arg16 : memref<!tpu.dma_semaphore, #tpu.memory_space<semaphore_mem>>)
    %dma_wait3A_146 = arith.constant 0 : i32
    %dma_wait3A_147 = arith.constant 0 : i32
    %dma_wait3A_148 = tpu.memref_slice %arg3[%dma_wait3A_146, %dma_wait3A_147] : memref<26000x64xf32, #tpu.memory_space<hbm>> -> memref<208x64xf32, #tpu.memory_space<hbm>>
    %dma_wait3A_149 = arith.constant 0 : i32
    %dma_wait3A_150 = arith.constant 0 : i32
    %dma_wait3A_151 = tpu.memref_slice %arg3[%dma_wait3A_149, %dma_wait3A_150] : memref<26000x64xf32, #tpu.memory_space<hbm>> -> memref<208x64xf32, #tpu.memory_space<hbm>>
    tpu.wait_dma2 semaphore(%arg17 : memref<!tpu.dma_semaphore, #tpu.memory_space<semaphore_mem>>) src(%dma_wait3A_151 : memref<208x64xf32, #tpu.memory_space<hbm>>) dst(%arg11 : memref<208x64xf32, #tpu.memory_space<vmem>>)
    %mul3A_152 = arith.constant 3328 : i32
    %mul3A_153 = arith.muli %add3A, %mul3A_152 : i32
    %add3A_154 = arith.constant 1872 : i32
    %add3A_155 = arith.addi %mul3A_153, %add3A_154 : i32
    "tpu.region"() ({
      %run_scoped3A = tpu.sem_alloc : memref<!tpu.dma_semaphore, #tpu.memory_space<semaphore_mem>>
      %dma_start3A_320 = arith.constant 0 : i32
      %dma_start3A_321 = tpu.memref_slice %arg8[%add3A_155, %dma_start3A_320] : memref<106496x64xf32, #tpu.memory_space<hbm>> -> memref<208x64xf32, #tpu.memory_space<hbm>>
      %dma_start3A_322 = arith.constant 0 : i32
      %dma_start3A_323 = tpu.memref_slice %arg8[%add3A_155, %dma_start3A_322] : memref<106496x64xf32, #tpu.memory_space<hbm>> -> memref<208x64xf32, #tpu.memory_space<hbm>>
      tpu.enqueue_dma source(%arg11 : memref<208x64xf32, #tpu.memory_space<vmem>>) target(%dma_start3A_323 : memref<208x64xf32, #tpu.memory_space<hbm>>) target_semaphore(%run_scoped3A : memref<!tpu.dma_semaphore, #tpu.memory_space<semaphore_mem>>)
      %dma_wait3A_324 = arith.constant 0 : i32
      %dma_wait3A_325 = tpu.memref_slice %arg8[%add3A_155, %dma_wait3A_324] : memref<106496x64xf32, #tpu.memory_space<hbm>> -> memref<208x64xf32, #tpu.memory_space<hbm>>
      %dma_wait3A_326 = arith.constant 0 : i32
      %dma_wait3A_327 = tpu.memref_slice %arg8[%add3A_155, %dma_wait3A_326] : memref<106496x64xf32, #tpu.memory_space<hbm>> -> memref<208x64xf32, #tpu.memory_space<hbm>>
      tpu.wait_dma2 semaphore(%run_scoped3A : memref<!tpu.dma_semaphore, #tpu.memory_space<semaphore_mem>>) src(%arg11 : memref<208x64xf32, #tpu.memory_space<vmem>>) dst(%dma_wait3A_327 : memref<208x64xf32, #tpu.memory_space<hbm>>)
      tpu.yield
    }) : () -> ()
    %dma_start3A_156 = arith.constant 2288 : i32
    %dma_start3A_157 = tpu.memref_slice %arg15[%dma_start3A_156] : memref<25600xi32, #tpu.memory_space<vmem>> -> memref<208xi32, #tpu.memory_space<vmem>>
    %dma_start3A_158 = arith.constant 0 : i32
    %dma_start3A_159 = arith.constant 0 : i32
    %dma_start3A_160 = tpu.memref_slice %arg3[%dma_start3A_158, %dma_start3A_159] : memref<26000x64xf32, #tpu.memory_space<hbm>> -> memref<26000x64xf32, #tpu.memory_space<hbm>>
    tpu.enqueue_indirect_dma source(%dma_start3A_160 : memref<26000x64xf32, #tpu.memory_space<hbm>>) target(%arg11 : memref<208x64xf32, #tpu.memory_space<vmem>>) offsets(%dma_start3A_157 : memref<208xi32, #tpu.memory_space<vmem>>) semaphore(%arg17 : memref<!tpu.dma_semaphore, #tpu.memory_space<semaphore_mem>>)
    %dma_wait3A_161 = arith.constant 0 : i32
    %dma_wait3A_162 = arith.constant 0 : i32
    %dma_wait3A_163 = tpu.memref_slice %arg3[%dma_wait3A_161, %dma_wait3A_162] : memref<26000x64xf32, #tpu.memory_space<hbm>> -> memref<208x64xf32, #tpu.memory_space<hbm>>
    %dma_wait3A_164 = arith.constant 0 : i32
    %dma_wait3A_165 = arith.constant 0 : i32
    %dma_wait3A_166 = tpu.memref_slice %arg3[%dma_wait3A_164, %dma_wait3A_165] : memref<26000x64xf32, #tpu.memory_space<hbm>> -> memref<208x64xf32, #tpu.memory_space<hbm>>
    tpu.wait_dma2 semaphore(%arg16 : memref<!tpu.dma_semaphore, #tpu.memory_space<semaphore_mem>>) src(%dma_wait3A_166 : memref<208x64xf32, #tpu.memory_space<hbm>>) dst(%arg10 : memref<208x64xf32, #tpu.memory_space<vmem>>)
    %mul3A_167 = arith.constant 3328 : i32
    %mul3A_168 = arith.muli %add3A, %mul3A_167 : i32
    %add3A_169 = arith.constant 2080 : i32
    %add3A_170 = arith.addi %mul3A_168, %add3A_169 : i32
    "tpu.region"() ({
      %run_scoped3A = tpu.sem_alloc : memref<!tpu.dma_semaphore, #tpu.memory_space<semaphore_mem>>
      %dma_start3A_320 = arith.constant 0 : i32
      %dma_start3A_321 = tpu.memref_slice %arg8[%add3A_170, %dma_start3A_320] : memref<106496x64xf32, #tpu.memory_space<hbm>> -> memref<208x64xf32, #tpu.memory_space<hbm>>
      %dma_start3A_322 = arith.constant 0 : i32
      %dma_start3A_323 = tpu.memref_slice %arg8[%add3A_170, %dma_start3A_322] : memref<106496x64xf32, #tpu.memory_space<hbm>> -> memref<208x64xf32, #tpu.memory_space<hbm>>
      tpu.enqueue_dma source(%arg10 : memref<208x64xf32, #tpu.memory_space<vmem>>) target(%dma_start3A_323 : memref<208x64xf32, #tpu.memory_space<hbm>>) target_semaphore(%run_scoped3A : memref<!tpu.dma_semaphore, #tpu.memory_space<semaphore_mem>>)
      %dma_wait3A_324 = arith.constant 0 : i32
      %dma_wait3A_325 = tpu.memref_slice %arg8[%add3A_170, %dma_wait3A_324] : memref<106496x64xf32, #tpu.memory_space<hbm>> -> memref<208x64xf32, #tpu.memory_space<hbm>>
      %dma_wait3A_326 = arith.constant 0 : i32
      %dma_wait3A_327 = tpu.memref_slice %arg8[%add3A_170, %dma_wait3A_326] : memref<106496x64xf32, #tpu.memory_space<hbm>> -> memref<208x64xf32, #tpu.memory_space<hbm>>
      tpu.wait_dma2 semaphore(%run_scoped3A : memref<!tpu.dma_semaphore, #tpu.memory_space<semaphore_mem>>) src(%arg10 : memref<208x64xf32, #tpu.memory_space<vmem>>) dst(%dma_wait3A_327 : memref<208x64xf32, #tpu.memory_space<hbm>>)
      tpu.yield
    }) : () -> ()
    %dma_start3A_171 = arith.constant 2496 : i32
    %dma_start3A_172 = tpu.memref_slice %arg15[%dma_start3A_171] : memref<25600xi32, #tpu.memory_space<vmem>> -> memref<208xi32, #tpu.memory_space<vmem>>
    %dma_start3A_173 = arith.constant 0 : i32
    %dma_start3A_174 = arith.constant 0 : i32
    %dma_start3A_175 = tpu.memref_slice %arg3[%dma_start3A_173, %dma_start3A_174] : memref<26000x64xf32, #tpu.memory_space<hbm>> -> memref<26000x64xf32, #tpu.memory_space<hbm>>
    tpu.enqueue_indirect_dma source(%dma_start3A_175 : memref<26000x64xf32, #tpu.memory_space<hbm>>) target(%arg10 : memref<208x64xf32, #tpu.memory_space<vmem>>) offsets(%dma_start3A_172 : memref<208xi32, #tpu.memory_space<vmem>>) semaphore(%arg16 : memref<!tpu.dma_semaphore, #tpu.memory_space<semaphore_mem>>)
    %dma_wait3A_176 = arith.constant 0 : i32
    %dma_wait3A_177 = arith.constant 0 : i32
    %dma_wait3A_178 = tpu.memref_slice %arg3[%dma_wait3A_176, %dma_wait3A_177] : memref<26000x64xf32, #tpu.memory_space<hbm>> -> memref<208x64xf32, #tpu.memory_space<hbm>>
    %dma_wait3A_179 = arith.constant 0 : i32
    %dma_wait3A_180 = arith.constant 0 : i32
    %dma_wait3A_181 = tpu.memref_slice %arg3[%dma_wait3A_179, %dma_wait3A_180] : memref<26000x64xf32, #tpu.memory_space<hbm>> -> memref<208x64xf32, #tpu.memory_space<hbm>>
    tpu.wait_dma2 semaphore(%arg17 : memref<!tpu.dma_semaphore, #tpu.memory_space<semaphore_mem>>) src(%dma_wait3A_181 : memref<208x64xf32, #tpu.memory_space<hbm>>) dst(%arg11 : memref<208x64xf32, #tpu.memory_space<vmem>>)
    %mul3A_182 = arith.constant 3328 : i32
    %mul3A_183 = arith.muli %add3A, %mul3A_182 : i32
    %add3A_184 = arith.constant 2288 : i32
    %add3A_185 = arith.addi %mul3A_183, %add3A_184 : i32
    "tpu.region"() ({
      %run_scoped3A = tpu.sem_alloc : memref<!tpu.dma_semaphore, #tpu.memory_space<semaphore_mem>>
      %dma_start3A_320 = arith.constant 0 : i32
      %dma_start3A_321 = tpu.memref_slice %arg8[%add3A_185, %dma_start3A_320] : memref<106496x64xf32, #tpu.memory_space<hbm>> -> memref<208x64xf32, #tpu.memory_space<hbm>>
      %dma_start3A_322 = arith.constant 0 : i32
      %dma_start3A_323 = tpu.memref_slice %arg8[%add3A_185, %dma_start3A_322] : memref<106496x64xf32, #tpu.memory_space<hbm>> -> memref<208x64xf32, #tpu.memory_space<hbm>>
      tpu.enqueue_dma source(%arg11 : memref<208x64xf32, #tpu.memory_space<vmem>>) target(%dma_start3A_323 : memref<208x64xf32, #tpu.memory_space<hbm>>) target_semaphore(%run_scoped3A : memref<!tpu.dma_semaphore, #tpu.memory_space<semaphore_mem>>)
      %dma_wait3A_324 = arith.constant 0 : i32
      %dma_wait3A_325 = tpu.memref_slice %arg8[%add3A_185, %dma_wait3A_324] : memref<106496x64xf32, #tpu.memory_space<hbm>> -> memref<208x64xf32, #tpu.memory_space<hbm>>
      %dma_wait3A_326 = arith.constant 0 : i32
      %dma_wait3A_327 = tpu.memref_slice %arg8[%add3A_185, %dma_wait3A_326] : memref<106496x64xf32, #tpu.memory_space<hbm>> -> memref<208x64xf32, #tpu.memory_space<hbm>>
      tpu.wait_dma2 semaphore(%run_scoped3A : memref<!tpu.dma_semaphore, #tpu.memory_space<semaphore_mem>>) src(%arg11 : memref<208x64xf32, #tpu.memory_space<vmem>>) dst(%dma_wait3A_327 : memref<208x64xf32, #tpu.memory_space<hbm>>)
      tpu.yield
    }) : () -> ()
    %dma_start3A_186 = arith.constant 2704 : i32
    %dma_start3A_187 = tpu.memref_slice %arg15[%dma_start3A_186] : memref<25600xi32, #tpu.memory_space<vmem>> -> memref<208xi32, #tpu.memory_space<vmem>>
    %dma_start3A_188 = arith.constant 0 : i32
    %dma_start3A_189 = arith.constant 0 : i32
    %dma_start3A_190 = tpu.memref_slice %arg3[%dma_start3A_188, %dma_start3A_189] : memref<26000x64xf32, #tpu.memory_space<hbm>> -> memref<26000x64xf32, #tpu.memory_space<hbm>>
    tpu.enqueue_indirect_dma source(%dma_start3A_190 : memref<26000x64xf32, #tpu.memory_space<hbm>>) target(%arg11 : memref<208x64xf32, #tpu.memory_space<vmem>>) offsets(%dma_start3A_187 : memref<208xi32, #tpu.memory_space<vmem>>) semaphore(%arg17 : memref<!tpu.dma_semaphore, #tpu.memory_space<semaphore_mem>>)
    %dma_wait3A_191 = arith.constant 0 : i32
    %dma_wait3A_192 = arith.constant 0 : i32
    %dma_wait3A_193 = tpu.memref_slice %arg3[%dma_wait3A_191, %dma_wait3A_192] : memref<26000x64xf32, #tpu.memory_space<hbm>> -> memref<208x64xf32, #tpu.memory_space<hbm>>
    %dma_wait3A_194 = arith.constant 0 : i32
    %dma_wait3A_195 = arith.constant 0 : i32
    %dma_wait3A_196 = tpu.memref_slice %arg3[%dma_wait3A_194, %dma_wait3A_195] : memref<26000x64xf32, #tpu.memory_space<hbm>> -> memref<208x64xf32, #tpu.memory_space<hbm>>
    tpu.wait_dma2 semaphore(%arg16 : memref<!tpu.dma_semaphore, #tpu.memory_space<semaphore_mem>>) src(%dma_wait3A_196 : memref<208x64xf32, #tpu.memory_space<hbm>>) dst(%arg10 : memref<208x64xf32, #tpu.memory_space<vmem>>)
    %mul3A_197 = arith.constant 3328 : i32
    %mul3A_198 = arith.muli %add3A, %mul3A_197 : i32
    %add3A_199 = arith.constant 2496 : i32
    %add3A_200 = arith.addi %mul3A_198, %add3A_199 : i32
    "tpu.region"() ({
      %run_scoped3A = tpu.sem_alloc : memref<!tpu.dma_semaphore, #tpu.memory_space<semaphore_mem>>
      %dma_start3A_320 = arith.constant 0 : i32
      %dma_start3A_321 = tpu.memref_slice %arg8[%add3A_200, %dma_start3A_320] : memref<106496x64xf32, #tpu.memory_space<hbm>> -> memref<208x64xf32, #tpu.memory_space<hbm>>
      %dma_start3A_322 = arith.constant 0 : i32
      %dma_start3A_323 = tpu.memref_slice %arg8[%add3A_200, %dma_start3A_322] : memref<106496x64xf32, #tpu.memory_space<hbm>> -> memref<208x64xf32, #tpu.memory_space<hbm>>
      tpu.enqueue_dma source(%arg10 : memref<208x64xf32, #tpu.memory_space<vmem>>) target(%dma_start3A_323 : memref<208x64xf32, #tpu.memory_space<hbm>>) target_semaphore(%run_scoped3A : memref<!tpu.dma_semaphore, #tpu.memory_space<semaphore_mem>>)
      %dma_wait3A_324 = arith.constant 0 : i32
      %dma_wait3A_325 = tpu.memref_slice %arg8[%add3A_200, %dma_wait3A_324] : memref<106496x64xf32, #tpu.memory_space<hbm>> -> memref<208x64xf32, #tpu.memory_space<hbm>>
      %dma_wait3A_326 = arith.constant 0 : i32
      %dma_wait3A_327 = tpu.memref_slice %arg8[%add3A_200, %dma_wait3A_326] : memref<106496x64xf32, #tpu.memory_space<hbm>> -> memref<208x64xf32, #tpu.memory_space<hbm>>
      tpu.wait_dma2 semaphore(%run_scoped3A : memref<!tpu.dma_semaphore, #tpu.memory_space<semaphore_mem>>) src(%arg10 : memref<208x64xf32, #tpu.memory_space<vmem>>) dst(%dma_wait3A_327 : memref<208x64xf32, #tpu.memory_space<hbm>>)
      tpu.yield
    }) : () -> ()
    %dma_start3A_201 = arith.constant 2912 : i32
    %dma_start3A_202 = tpu.memref_slice %arg15[%dma_start3A_201] : memref<25600xi32, #tpu.memory_space<vmem>> -> memref<208xi32, #tpu.memory_space<vmem>>
    %dma_start3A_203 = arith.constant 0 : i32
    %dma_start3A_204 = arith.constant 0 : i32
    %dma_start3A_205 = tpu.memref_slice %arg3[%dma_start3A_203, %dma_start3A_204] : memref<26000x64xf32, #tpu.memory_space<hbm>> -> memref<26000x64xf32, #tpu.memory_space<hbm>>
    tpu.enqueue_indirect_dma source(%dma_start3A_205 : memref<26000x64xf32, #tpu.memory_space<hbm>>) target(%arg10 : memref<208x64xf32, #tpu.memory_space<vmem>>) offsets(%dma_start3A_202 : memref<208xi32, #tpu.memory_space<vmem>>) semaphore(%arg16 : memref<!tpu.dma_semaphore, #tpu.memory_space<semaphore_mem>>)
    %dma_wait3A_206 = arith.constant 0 : i32
    %dma_wait3A_207 = arith.constant 0 : i32
    %dma_wait3A_208 = tpu.memref_slice %arg3[%dma_wait3A_206, %dma_wait3A_207] : memref<26000x64xf32, #tpu.memory_space<hbm>> -> memref<208x64xf32, #tpu.memory_space<hbm>>
    %dma_wait3A_209 = arith.constant 0 : i32
    %dma_wait3A_210 = arith.constant 0 : i32
    %dma_wait3A_211 = tpu.memref_slice %arg3[%dma_wait3A_209, %dma_wait3A_210] : memref<26000x64xf32, #tpu.memory_space<hbm>> -> memref<208x64xf32, #tpu.memory_space<hbm>>
    tpu.wait_dma2 semaphore(%arg17 : memref<!tpu.dma_semaphore, #tpu.memory_space<semaphore_mem>>) src(%dma_wait3A_211 : memref<208x64xf32, #tpu.memory_space<hbm>>) dst(%arg11 : memref<208x64xf32, #tpu.memory_space<vmem>>)
    %mul3A_212 = arith.constant 3328 : i32
    %mul3A_213 = arith.muli %add3A, %mul3A_212 : i32
    %add3A_214 = arith.constant 2704 : i32
    %add3A_215 = arith.addi %mul3A_213, %add3A_214 : i32
    "tpu.region"() ({
      %run_scoped3A = tpu.sem_alloc : memref<!tpu.dma_semaphore, #tpu.memory_space<semaphore_mem>>
      %dma_start3A_320 = arith.constant 0 : i32
      %dma_start3A_321 = tpu.memref_slice %arg8[%add3A_215, %dma_start3A_320] : memref<106496x64xf32, #tpu.memory_space<hbm>> -> memref<208x64xf32, #tpu.memory_space<hbm>>
      %dma_start3A_322 = arith.constant 0 : i32
      %dma_start3A_323 = tpu.memref_slice %arg8[%add3A_215, %dma_start3A_322] : memref<106496x64xf32, #tpu.memory_space<hbm>> -> memref<208x64xf32, #tpu.memory_space<hbm>>
      tpu.enqueue_dma source(%arg11 : memref<208x64xf32, #tpu.memory_space<vmem>>) target(%dma_start3A_323 : memref<208x64xf32, #tpu.memory_space<hbm>>) target_semaphore(%run_scoped3A : memref<!tpu.dma_semaphore, #tpu.memory_space<semaphore_mem>>)
      %dma_wait3A_324 = arith.constant 0 : i32
      %dma_wait3A_325 = tpu.memref_slice %arg8[%add3A_215, %dma_wait3A_324] : memref<106496x64xf32, #tpu.memory_space<hbm>> -> memref<208x64xf32, #tpu.memory_space<hbm>>
      %dma_wait3A_326 = arith.constant 0 : i32
      %dma_wait3A_327 = tpu.memref_slice %arg8[%add3A_215, %dma_wait3A_326] : memref<106496x64xf32, #tpu.memory_space<hbm>> -> memref<208x64xf32, #tpu.memory_space<hbm>>
      tpu.wait_dma2 semaphore(%run_scoped3A : memref<!tpu.dma_semaphore, #tpu.memory_space<semaphore_mem>>) src(%arg11 : memref<208x64xf32, #tpu.memory_space<vmem>>) dst(%dma_wait3A_327 : memref<208x64xf32, #tpu.memory_space<hbm>>)
      tpu.yield
    }) : () -> ()
    %dma_start3A_216 = arith.constant 3120 : i32
    %dma_start3A_217 = tpu.memref_slice %arg15[%dma_start3A_216] : memref<25600xi32, #tpu.memory_space<vmem>> -> memref<208xi32, #tpu.memory_space<vmem>>
    %dma_start3A_218 = arith.constant 0 : i32
    %dma_start3A_219 = arith.constant 0 : i32
    %dma_start3A_220 = tpu.memref_slice %arg3[%dma_start3A_218, %dma_start3A_219] : memref<26000x64xf32, #tpu.memory_space<hbm>> -> memref<26000x64xf32, #tpu.memory_space<hbm>>
    tpu.enqueue_indirect_dma source(%dma_start3A_220 : memref<26000x64xf32, #tpu.memory_space<hbm>>) target(%arg11 : memref<208x64xf32, #tpu.memory_space<vmem>>) offsets(%dma_start3A_217 : memref<208xi32, #tpu.memory_space<vmem>>) semaphore(%arg17 : memref<!tpu.dma_semaphore, #tpu.memory_space<semaphore_mem>>)
    %dma_wait3A_221 = arith.constant 0 : i32
    %dma_wait3A_222 = arith.constant 0 : i32
    %dma_wait3A_223 = tpu.memref_slice %arg3[%dma_wait3A_221, %dma_wait3A_222] : memref<26000x64xf32, #tpu.memory_space<hbm>> -> memref<208x64xf32, #tpu.memory_space<hbm>>
    %dma_wait3A_224 = arith.constant 0 : i32
    %dma_wait3A_225 = arith.constant 0 : i32
    %dma_wait3A_226 = tpu.memref_slice %arg3[%dma_wait3A_224, %dma_wait3A_225] : memref<26000x64xf32, #tpu.memory_space<hbm>> -> memref<208x64xf32, #tpu.memory_space<hbm>>
    tpu.wait_dma2 semaphore(%arg16 : memref<!tpu.dma_semaphore, #tpu.memory_space<semaphore_mem>>) src(%dma_wait3A_226 : memref<208x64xf32, #tpu.memory_space<hbm>>) dst(%arg10 : memref<208x64xf32, #tpu.memory_space<vmem>>)
    %mul3A_227 = arith.constant 3328 : i32
    %mul3A_228 = arith.muli %add3A, %mul3A_227 : i32
    %add3A_229 = arith.constant 2912 : i32
    %add3A_230 = arith.addi %mul3A_228, %add3A_229 : i32
    "tpu.region"() ({
      %run_scoped3A = tpu.sem_alloc : memref<!tpu.dma_semaphore, #tpu.memory_space<semaphore_mem>>
      %dma_start3A_320 = arith.constant 0 : i32
      %dma_start3A_321 = tpu.memref_slice %arg8[%add3A_230, %dma_start3A_320] : memref<106496x64xf32, #tpu.memory_space<hbm>> -> memref<208x64xf32, #tpu.memory_space<hbm>>
      %dma_start3A_322 = arith.constant 0 : i32
      %dma_start3A_323 = tpu.memref_slice %arg8[%add3A_230, %dma_start3A_322] : memref<106496x64xf32, #tpu.memory_space<hbm>> -> memref<208x64xf32, #tpu.memory_space<hbm>>
      tpu.enqueue_dma source(%arg10 : memref<208x64xf32, #tpu.memory_space<vmem>>) target(%dma_start3A_323 : memref<208x64xf32, #tpu.memory_space<hbm>>) target_semaphore(%run_scoped3A : memref<!tpu.dma_semaphore, #tpu.memory_space<semaphore_mem>>)
      %dma_wait3A_324 = arith.constant 0 : i32
      %dma_wait3A_325 = tpu.memref_slice %arg8[%add3A_230, %dma_wait3A_324] : memref<106496x64xf32, #tpu.memory_space<hbm>> -> memref<208x64xf32, #tpu.memory_space<hbm>>
      %dma_wait3A_326 = arith.constant 0 : i32
      %dma_wait3A_327 = tpu.memref_slice %arg8[%add3A_230, %dma_wait3A_326] : memref<106496x64xf32, #tpu.memory_space<hbm>> -> memref<208x64xf32, #tpu.memory_space<hbm>>
      tpu.wait_dma2 semaphore(%run_scoped3A : memref<!tpu.dma_semaphore, #tpu.memory_space<semaphore_mem>>) src(%arg10 : memref<208x64xf32, #tpu.memory_space<vmem>>) dst(%dma_wait3A_327 : memref<208x64xf32, #tpu.memory_space<hbm>>)
      tpu.yield
    }) : () -> ()
    %dma_wait3A_231 = arith.constant 0 : i32
    %dma_wait3A_232 = arith.constant 0 : i32
    %dma_wait3A_233 = tpu.memref_slice %arg3[%dma_wait3A_231, %dma_wait3A_232] : memref<26000x64xf32, #tpu.memory_space<hbm>> -> memref<208x64xf32, #tpu.memory_space<hbm>>
    %dma_wait3A_234 = arith.constant 0 : i32
    %dma_wait3A_235 = arith.constant 0 : i32
    %dma_wait3A_236 = tpu.memref_slice %arg3[%dma_wait3A_234, %dma_wait3A_235] : memref<26000x64xf32, #tpu.memory_space<hbm>> -> memref<208x64xf32, #tpu.memory_space<hbm>>
    tpu.wait_dma2 semaphore(%arg17 : memref<!tpu.dma_semaphore, #tpu.memory_space<semaphore_mem>>) src(%dma_wait3A_236 : memref<208x64xf32, #tpu.memory_space<hbm>>) dst(%arg11 : memref<208x64xf32, #tpu.memory_space<vmem>>)
    %mul3A_237 = arith.constant 3328 : i32
    %mul3A_238 = arith.muli %add3A, %mul3A_237 : i32
    %add3A_239 = arith.constant 3120 : i32
    %add3A_240 = arith.addi %mul3A_238, %add3A_239 : i32
    "tpu.region"() ({
      %run_scoped3A = tpu.sem_alloc : memref<!tpu.dma_semaphore, #tpu.memory_space<semaphore_mem>>
      %dma_start3A_320 = arith.constant 0 : i32
      %dma_start3A_321 = tpu.memref_slice %arg8[%add3A_240, %dma_start3A_320] : memref<106496x64xf32, #tpu.memory_space<hbm>> -> memref<208x64xf32, #tpu.memory_space<hbm>>
      %dma_start3A_322 = arith.constant 0 : i32
      %dma_start3A_323 = tpu.memref_slice %arg8[%add3A_240, %dma_start3A_322] : memref<106496x64xf32, #tpu.memory_space<hbm>> -> memref<208x64xf32, #tpu.memory_space<hbm>>
      tpu.enqueue_dma source(%arg11 : memref<208x64xf32, #tpu.memory_space<vmem>>) target(%dma_start3A_323 : memref<208x64xf32, #tpu.memory_space<hbm>>) target_semaphore(%run_scoped3A : memref<!tpu.dma_semaphore, #tpu.memory_space<semaphore_mem>>)
      %dma_wait3A_324 = arith.constant 0 : i32
      %dma_wait3A_325 = tpu.memref_slice %arg8[%add3A_240, %dma_wait3A_324] : memref<106496x64xf32, #tpu.memory_space<hbm>> -> memref<208x64xf32, #tpu.memory_space<hbm>>
      %dma_wait3A_326 = arith.constant 0 : i32
      %dma_wait3A_327 = tpu.memref_slice %arg8[%add3A_240, %dma_wait3A_326] : memref<106496x64xf32, #tpu.memory_space<hbm>> -> memref<208x64xf32, #tpu.memory_space<hbm>>
      tpu.wait_dma2 semaphore(%run_scoped3A : memref<!tpu.dma_semaphore, #tpu.memory_space<semaphore_mem>>) src(%arg11 : memref<208x64xf32, #tpu.memory_space<vmem>>) dst(%dma_wait3A_327 : memref<208x64xf32, #tpu.memory_space<hbm>>)
      tpu.yield
    }) : () -> ()
    %mul3A_241 = arith.constant 25600 : i32
    %mul3A_242 = arith.muli %add3A, %mul3A_241 : i32
    "tpu.region"() ({
      %run_scoped3A = tpu.sem_alloc : memref<!tpu.dma_semaphore, #tpu.memory_space<semaphore_mem>>
      %dma_start3A_320 = tpu.memref_slice %arg4[%mul3A_242] : memref<819200xi32, #tpu.memory_space<hbm>> -> memref<25600xi32, #tpu.memory_space<hbm>>
      %dma_start3A_321 = tpu.memref_slice %arg4[%mul3A_242] : memref<819200xi32, #tpu.memory_space<hbm>> -> memref<25600xi32, #tpu.memory_space<hbm>>
      tpu.enqueue_dma source(%dma_start3A_321 : memref<25600xi32, #tpu.memory_space<hbm>>) target(%arg14 : memref<25600xi32, #tpu.memory_space<vmem>>) target_semaphore(%run_scoped3A : memref<!tpu.dma_semaphore, #tpu.memory_space<semaphore_mem>>)
      %dma_wait3A_322 = tpu.memref_slice %arg4[%mul3A_242] : memref<819200xi32, #tpu.memory_space<hbm>> -> memref<25600xi32, #tpu.memory_space<hbm>>
      %dma_wait3A_323 = tpu.memref_slice %arg4[%mul3A_242] : memref<819200xi32, #tpu.memory_space<hbm>> -> memref<25600xi32, #tpu.memory_space<hbm>>
      tpu.wait_dma2 semaphore(%run_scoped3A : memref<!tpu.dma_semaphore, #tpu.memory_space<semaphore_mem>>) src(%dma_wait3A_323 : memref<25600xi32, #tpu.memory_space<hbm>>) dst(%arg14 : memref<25600xi32, #tpu.memory_space<vmem>>)
      tpu.yield
    }) : () -> ()
    %mul3A_243 = arith.constant 25600 : i32
    %mul3A_244 = arith.muli %add3A, %mul3A_243 : i32
    "tpu.region"() ({
      %run_scoped3A = tpu.sem_alloc : memref<!tpu.dma_semaphore, #tpu.memory_space<semaphore_mem>>
      %dma_start3A_320 = tpu.memref_slice %arg5[%mul3A_244] : memref<819200xi32, #tpu.memory_space<hbm>> -> memref<25600xi32, #tpu.memory_space<hbm>>
      %dma_start3A_321 = tpu.memref_slice %arg5[%mul3A_244] : memref<819200xi32, #tpu.memory_space<hbm>> -> memref<25600xi32, #tpu.memory_space<hbm>>
      tpu.enqueue_dma source(%dma_start3A_321 : memref<25600xi32, #tpu.memory_space<hbm>>) target(%arg15 : memref<25600xi32, #tpu.memory_space<vmem>>) target_semaphore(%run_scoped3A : memref<!tpu.dma_semaphore, #tpu.memory_space<semaphore_mem>>)
      %dma_wait3A_322 = tpu.memref_slice %arg5[%mul3A_244] : memref<819200xi32, #tpu.memory_space<hbm>> -> memref<25600xi32, #tpu.memory_space<hbm>>
      %dma_wait3A_323 = tpu.memref_slice %arg5[%mul3A_244] : memref<819200xi32, #tpu.memory_space<hbm>> -> memref<25600xi32, #tpu.memory_space<hbm>>
      tpu.wait_dma2 semaphore(%run_scoped3A : memref<!tpu.dma_semaphore, #tpu.memory_space<semaphore_mem>>) src(%dma_wait3A_323 : memref<25600xi32, #tpu.memory_space<hbm>>) dst(%arg15 : memref<25600xi32, #tpu.memory_space<vmem>>)
      tpu.yield
    }) : () -> ()
    %dma_start3A_245 = arith.constant 0 : i32
    %dma_start3A_246 = arith.constant 0 : i32
    %dma_start3A_247 = tpu.memref_slice %arg10[%dma_start3A_245, %dma_start3A_246] : memref<208x64xf32, #tpu.memory_space<vmem>> -> memref<200x64xf32, #tpu.memory_space<vmem>>
    %dma_start3A_248 = arith.constant 0 : i32
    %dma_start3A_249 = tpu.memref_slice %arg14[%dma_start3A_248] : memref<25600xi32, #tpu.memory_space<vmem>> -> memref<200xi32, #tpu.memory_space<vmem>>
    %dma_start3A_250 = arith.constant 0 : i32
    %dma_start3A_251 = arith.constant 0 : i32
    %dma_start3A_252 = tpu.memref_slice %arg6[%dma_start3A_250, %dma_start3A_251] : memref<1000001x64xf32, #tpu.memory_space<hbm>> -> memref<1000001x64xf32, #tpu.memory_space<hbm>>
    tpu.enqueue_indirect_dma source(%dma_start3A_252 : memref<1000001x64xf32, #tpu.memory_space<hbm>>) target(%dma_start3A_247 : memref<200x64xf32, #tpu.memory_space<vmem>>) offsets(%dma_start3A_249 : memref<200xi32, #tpu.memory_space<vmem>>) semaphore(%arg16 : memref<!tpu.dma_semaphore, #tpu.memory_space<semaphore_mem>>)
    %dma_start3A_253 = arith.constant 0 : i32
    %dma_start3A_254 = tpu.memref_slice %arg15[%dma_start3A_253] : memref<25600xi32, #tpu.memory_space<vmem>> -> memref<200xi32, #tpu.memory_space<vmem>>
    %dma_start3A_255 = arith.constant 0 : i32
    %dma_start3A_256 = arith.constant 0 : i32
    %dma_start3A_257 = tpu.memref_slice %arg7[%dma_start3A_255, %dma_start3A_256] : memref<100000x64xf32, #tpu.memory_space<hbm>> -> memref<100000x64xf32, #tpu.memory_space<hbm>>
    tpu.enqueue_indirect_dma source(%dma_start3A_257 : memref<100000x64xf32, #tpu.memory_space<hbm>>) target(%arg12 : memref<200x64xf32, #tpu.memory_space<vmem>>) offsets(%dma_start3A_254 : memref<200xi32, #tpu.memory_space<vmem>>) semaphore(%arg18 : memref<!tpu.dma_semaphore, #tpu.memory_space<semaphore_mem>>)
    %scan3A = arith.constant 0 : i32
    %scan3A_258 = arith.constant 0 : i32
    %scan3A_259 = arith.constant 63 : i32
    %scan3A_260 = arith.addi %scan3A_258, %scan3A_259 : i32
    %scan3A_261 = arith.constant 1 : i32
    scf.for %scan3A_320 = %scan3A_258 to %scan3A_260 step %scan3A_261  : i32 {
      %mul3A_321 = arith.constant 2 : i32
      %mul3A_322 = arith.muli %mul3A_321, %scan3A_320 : i32
      %add3A_323 = arith.constant 1 : i32
      %add3A_324 = arith.addi %mul3A_322, %add3A_323 : i32
      %mul3A_325 = arith.constant 200 : i32
      %mul3A_326 = arith.muli %add3A_324, %mul3A_325 : i32
      %mul3A_327 = arith.constant 200 : i32
      %mul3A_328 = arith.muli %add3A_324, %mul3A_327 : i32
      %dma_start3A_329 = arith.constant 0 : i32
      %dma_start3A_330 = arith.constant 0 : i32
      %dma_start3A_331 = tpu.memref_slice %arg11[%dma_start3A_329, %dma_start3A_330] : memref<208x64xf32, #tpu.memory_space<vmem>> -> memref<200x64xf32, #tpu.memory_space<vmem>>
      %dma_start3A_332 = tpu.memref_slice %arg14[%mul3A_326] : memref<25600xi32, #tpu.memory_space<vmem>> -> memref<200xi32, #tpu.memory_space<vmem>>
      %dma_start3A_333 = arith.constant 0 : i32
      %dma_start3A_334 = arith.constant 0 : i32
      %dma_start3A_335 = tpu.memref_slice %arg6[%dma_start3A_333, %dma_start3A_334] : memref<1000001x64xf32, #tpu.memory_space<hbm>> -> memref<1000001x64xf32, #tpu.memory_space<hbm>>
      tpu.enqueue_indirect_dma source(%dma_start3A_335 : memref<1000001x64xf32, #tpu.memory_space<hbm>>) target(%dma_start3A_331 : memref<200x64xf32, #tpu.memory_space<vmem>>) offsets(%dma_start3A_332 : memref<200xi32, #tpu.memory_space<vmem>>) semaphore(%arg17 : memref<!tpu.dma_semaphore, #tpu.memory_space<semaphore_mem>>)
      %dma_start3A_336 = tpu.memref_slice %arg15[%mul3A_328] : memref<25600xi32, #tpu.memory_space<vmem>> -> memref<200xi32, #tpu.memory_space<vmem>>
      %dma_start3A_337 = arith.constant 0 : i32
      %dma_start3A_338 = arith.constant 0 : i32
      %dma_start3A_339 = tpu.memref_slice %arg7[%dma_start3A_337, %dma_start3A_338] : memref<100000x64xf32, #tpu.memory_space<hbm>> -> memref<100000x64xf32, #tpu.memory_space<hbm>>
      tpu.enqueue_indirect_dma source(%dma_start3A_339 : memref<100000x64xf32, #tpu.memory_space<hbm>>) target(%arg13 : memref<200x64xf32, #tpu.memory_space<vmem>>) offsets(%dma_start3A_336 : memref<200xi32, #tpu.memory_space<vmem>>) semaphore(%arg19 : memref<!tpu.dma_semaphore, #tpu.memory_space<semaphore_mem>>)
      %dma_wait3A_340 = arith.constant 0 : i32
      %dma_wait3A_341 = arith.constant 0 : i32
      %dma_wait3A_342 = tpu.memref_slice %arg10[%dma_wait3A_340, %dma_wait3A_341] : memref<208x64xf32, #tpu.memory_space<vmem>> -> memref<200x64xf32, #tpu.memory_space<vmem>>
      %dma_wait3A_343 = arith.constant 0 : i32
      %dma_wait3A_344 = arith.constant 0 : i32
      %dma_wait3A_345 = tpu.memref_slice %arg6[%dma_wait3A_343, %dma_wait3A_344] : memref<1000001x64xf32, #tpu.memory_space<hbm>> -> memref<200x64xf32, #tpu.memory_space<hbm>>
      %dma_wait3A_346 = arith.constant 0 : i32
      %dma_wait3A_347 = arith.constant 0 : i32
      %dma_wait3A_348 = tpu.memref_slice %arg10[%dma_wait3A_346, %dma_wait3A_347] : memref<208x64xf32, #tpu.memory_space<vmem>> -> memref<200x64xf32, #tpu.memory_space<vmem>>
      %dma_wait3A_349 = arith.constant 0 : i32
      %dma_wait3A_350 = arith.constant 0 : i32
      %dma_wait3A_351 = tpu.memref_slice %arg6[%dma_wait3A_349, %dma_wait3A_350] : memref<1000001x64xf32, #tpu.memory_space<hbm>> -> memref<200x64xf32, #tpu.memory_space<hbm>>
      tpu.wait_dma2 semaphore(%arg16 : memref<!tpu.dma_semaphore, #tpu.memory_space<semaphore_mem>>) src(%dma_wait3A_351 : memref<200x64xf32, #tpu.memory_space<hbm>>) dst(%dma_wait3A_348 : memref<200x64xf32, #tpu.memory_space<vmem>>)
      %dma_wait3A_352 = arith.constant 0 : i32
      %dma_wait3A_353 = arith.constant 0 : i32
      %dma_wait3A_354 = tpu.memref_slice %arg7[%dma_wait3A_352, %dma_wait3A_353] : memref<100000x64xf32, #tpu.memory_space<hbm>> -> memref<200x64xf32, #tpu.memory_space<hbm>>
      %dma_wait3A_355 = arith.constant 0 : i32
      %dma_wait3A_356 = arith.constant 0 : i32
      %dma_wait3A_357 = tpu.memref_slice %arg7[%dma_wait3A_355, %dma_wait3A_356] : memref<100000x64xf32, #tpu.memory_space<hbm>> -> memref<200x64xf32, #tpu.memory_space<hbm>>
      tpu.wait_dma2 semaphore(%arg18 : memref<!tpu.dma_semaphore, #tpu.memory_space<semaphore_mem>>) src(%dma_wait3A_357 : memref<200x64xf32, #tpu.memory_space<hbm>>) dst(%arg12 : memref<200x64xf32, #tpu.memory_space<vmem>>)
      %mul3A_358 = arith.constant 128 : i32
      %mul3A_359 = arith.muli %add3A, %mul3A_358 : i32
      %add3A_360 = arith.addi %mul3A_359, %mul3A_322 : i32
      "tpu.region"() ({
        %run_scoped3A = tpu.sem_alloc : memref<!tpu.dma_semaphore, #tpu.memory_space<semaphore_mem>>
        %dma_start3A_401 = arith.constant 0 : i32
        %dma_start3A_402 = arith.constant 0 : i32
        %dma_start3A_403 = tpu.memref_slice %arg10[%dma_start3A_401, %dma_start3A_402] : memref<208x64xf32, #tpu.memory_space<vmem>> -> memref<200x64xf32, #tpu.memory_space<vmem>>
        %dma_start3A_404 = arith.constant 39 : i32
        %dma_start3A_405 = arith.constant 0 : i32
        %dma_start3A_406 = tpu.memref_slice %arg9[%add3A_360, %dma_start3A_404, %dma_start3A_405] : memref<4096x440x128xf32, #tpu.memory_space<hbm>> -> memref<1x200x64xf32, #tpu.memory_space<hbm>>
        %dma_start3A_407 = tpu.memref_squeeze %dma_start3A_406 : memref<1x200x64xf32, #tpu.memory_space<hbm>> -> memref<200x64xf32, #tpu.memory_space<hbm>>
        %dma_start3A_408 = arith.constant 39 : i32
        %dma_start3A_409 = arith.constant 0 : i32
        %dma_start3A_410 = tpu.memref_slice %arg9[%add3A_360, %dma_start3A_408, %dma_start3A_409] : memref<4096x440x128xf32, #tpu.memory_space<hbm>> -> memref<1x200x64xf32, #tpu.memory_space<hbm>>
        %dma_start3A_411 = tpu.memref_squeeze %dma_start3A_410 : memref<1x200x64xf32, #tpu.memory_space<hbm>> -> memref<200x64xf32, #tpu.memory_space<hbm>>
        %dma_start3A_412 = arith.constant 0 : i32
        %dma_start3A_413 = arith.constant 0 : i32
        %dma_start3A_414 = tpu.memref_slice %arg10[%dma_start3A_412, %dma_start3A_413] : memref<208x64xf32, #tpu.memory_space<vmem>> -> memref<200x64xf32, #tpu.memory_space<vmem>>
        tpu.enqueue_dma source(%dma_start3A_414 : memref<200x64xf32, #tpu.memory_space<vmem>>) target(%dma_start3A_411 : memref<200x64xf32, #tpu.memory_space<hbm>>) target_semaphore(%run_scoped3A : memref<!tpu.dma_semaphore, #tpu.memory_space<semaphore_mem>>)
        %dma_wait3A_415 = arith.constant 0 : i32
        %dma_wait3A_416 = arith.constant 0 : i32
        %dma_wait3A_417 = tpu.memref_slice %arg10[%dma_wait3A_415, %dma_wait3A_416] : memref<208x64xf32, #tpu.memory_space<vmem>> -> memref<200x64xf32, #tpu.memory_space<vmem>>
        %dma_wait3A_418 = arith.constant 39 : i32
        %dma_wait3A_419 = arith.constant 0 : i32
        %dma_wait3A_420 = tpu.memref_slice %arg9[%add3A_360, %dma_wait3A_418, %dma_wait3A_419] : memref<4096x440x128xf32, #tpu.memory_space<hbm>> -> memref<1x200x64xf32, #tpu.memory_space<hbm>>
        %dma_wait3A_421 = tpu.memref_squeeze %dma_wait3A_420 : memref<1x200x64xf32, #tpu.memory_space<hbm>> -> memref<200x64xf32, #tpu.memory_space<hbm>>
        %dma_wait3A_422 = arith.constant 39 : i32
        %dma_wait3A_423 = arith.constant 0 : i32
        %dma_wait3A_424 = tpu.memref_slice %arg9[%add3A_360, %dma_wait3A_422, %dma_wait3A_423] : memref<4096x440x128xf32, #tpu.memory_space<hbm>> -> memref<1x200x64xf32, #tpu.memory_space<hbm>>
        %dma_wait3A_425 = tpu.memref_squeeze %dma_wait3A_424 : memref<1x200x64xf32, #tpu.memory_space<hbm>> -> memref<200x64xf32, #tpu.memory_space<hbm>>
        %dma_wait3A_426 = arith.constant 0 : i32
        %dma_wait3A_427 = arith.constant 0 : i32
        %dma_wait3A_428 = tpu.memref_slice %arg10[%dma_wait3A_426, %dma_wait3A_427] : memref<208x64xf32, #tpu.memory_space<vmem>> -> memref<200x64xf32, #tpu.memory_space<vmem>>
        tpu.wait_dma2 semaphore(%run_scoped3A : memref<!tpu.dma_semaphore, #tpu.memory_space<semaphore_mem>>) src(%dma_wait3A_428 : memref<200x64xf32, #tpu.memory_space<vmem>>) dst(%dma_wait3A_425 : memref<200x64xf32, #tpu.memory_space<hbm>>)
        tpu.yield
      }) : () -> ()
      "tpu.region"() ({
        %run_scoped3A = tpu.sem_alloc : memref<!tpu.dma_semaphore, #tpu.memory_space<semaphore_mem>>
        %dma_start3A_401 = arith.constant 239 : i32
        %dma_start3A_402 = arith.constant 0 : i32
        %dma_start3A_403 = tpu.memref_slice %arg9[%add3A_360, %dma_start3A_401, %dma_start3A_402] : memref<4096x440x128xf32, #tpu.memory_space<hbm>> -> memref<1x200x64xf32, #tpu.memory_space<hbm>>
        %dma_start3A_404 = tpu.memref_squeeze %dma_start3A_403 : memref<1x200x64xf32, #tpu.memory_space<hbm>> -> memref<200x64xf32, #tpu.memory_space<hbm>>
        %dma_start3A_405 = arith.constant 239 : i32
        %dma_start3A_406 = arith.constant 0 : i32
        %dma_start3A_407 = tpu.memref_slice %arg9[%add3A_360, %dma_start3A_405, %dma_start3A_406] : memref<4096x440x128xf32, #tpu.memory_space<hbm>> -> memref<1x200x64xf32, #tpu.memory_space<hbm>>
        %dma_start3A_408 = tpu.memref_squeeze %dma_start3A_407 : memref<1x200x64xf32, #tpu.memory_space<hbm>> -> memref<200x64xf32, #tpu.memory_space<hbm>>
        tpu.enqueue_dma source(%arg12 : memref<200x64xf32, #tpu.memory_space<vmem>>) target(%dma_start3A_408 : memref<200x64xf32, #tpu.memory_space<hbm>>) target_semaphore(%run_scoped3A : memref<!tpu.dma_semaphore, #tpu.memory_space<semaphore_mem>>)
        %dma_wait3A_409 = arith.constant 239 : i32
        %dma_wait3A_410 = arith.constant 0 : i32
        %dma_wait3A_411 = tpu.memref_slice %arg9[%add3A_360, %dma_wait3A_409, %dma_wait3A_410] : memref<4096x440x128xf32, #tpu.memory_space<hbm>> -> memref<1x200x64xf32, #tpu.memory_space<hbm>>
        %dma_wait3A_412 = tpu.memref_squeeze %dma_wait3A_411 : memref<1x200x64xf32, #tpu.memory_space<hbm>> -> memref<200x64xf32, #tpu.memory_space<hbm>>
        %dma_wait3A_413 = arith.constant 239 : i32
        %dma_wait3A_414 = arith.constant 0 : i32
        %dma_wait3A_415 = tpu.memref_slice %arg9[%add3A_360, %dma_wait3A_413, %dma_wait3A_414] : memref<4096x440x128xf32, #tpu.memory_space<hbm>> -> memref<1x200x64xf32, #tpu.memory_space<hbm>>
        %dma_wait3A_416 = tpu.memref_squeeze %dma_wait3A_415 : memref<1x200x64xf32, #tpu.memory_space<hbm>> -> memref<200x64xf32, #tpu.memory_space<hbm>>
        tpu.wait_dma2 semaphore(%run_scoped3A : memref<!tpu.dma_semaphore, #tpu.memory_space<semaphore_mem>>) src(%arg12 : memref<200x64xf32, #tpu.memory_space<vmem>>) dst(%dma_wait3A_416 : memref<200x64xf32, #tpu.memory_space<hbm>>)
        tpu.yield
      }) : () -> ()
      %add3A_361 = arith.constant 2 : i32
      %add3A_362 = arith.addi %mul3A_322, %add3A_361 : i32
      %mul3A_363 = arith.constant 200 : i32
      %mul3A_364 = arith.muli %add3A_362, %mul3A_363 : i32
      %mul3A_365 = arith.constant 200 : i32
      %mul3A_366 = arith.muli %add3A_362, %mul3A_365 : i32
      %dma_start3A_367 = arith.constant 0 : i32
      %dma_start3A_368 = arith.constant 0 : i32
      %dma_start3A_369 = tpu.memref_slice %arg10[%dma_start3A_367, %dma_start3A_368] : memref<208x64xf32, #tpu.memory_space<vmem>> -> memref<200x64xf32, #tpu.memory_space<vmem>>
      %dma_start3A_370 = tpu.memref_slice %arg14[%mul3A_364] : memref<25600xi32, #tpu.memory_space<vmem>> -> memref<200xi32, #tpu.memory_space<vmem>>
      %dma_start3A_371 = arith.constant 0 : i32
      %dma_start3A_372 = arith.constant 0 : i32
      %dma_start3A_373 = tpu.memref_slice %arg6[%dma_start3A_371, %dma_start3A_372] : memref<1000001x64xf32, #tpu.memory_space<hbm>> -> memref<1000001x64xf32, #tpu.memory_space<hbm>>
      tpu.enqueue_indirect_dma source(%dma_start3A_373 : memref<1000001x64xf32, #tpu.memory_space<hbm>>) target(%dma_start3A_369 : memref<200x64xf32, #tpu.memory_space<vmem>>) offsets(%dma_start3A_370 : memref<200xi32, #tpu.memory_space<vmem>>) semaphore(%arg16 : memref<!tpu.dma_semaphore, #tpu.memory_space<semaphore_mem>>)
      %dma_start3A_374 = tpu.memref_slice %arg15[%mul3A_366] : memref<25600xi32, #tpu.memory_space<vmem>> -> memref<200xi32, #tpu.memory_space<vmem>>
      %dma_start3A_375 = arith.constant 0 : i32
      %dma_start3A_376 = arith.constant 0 : i32
      %dma_start3A_377 = tpu.memref_slice %arg7[%dma_start3A_375, %dma_start3A_376] : memref<100000x64xf32, #tpu.memory_space<hbm>> -> memref<100000x64xf32, #tpu.memory_space<hbm>>
      tpu.enqueue_indirect_dma source(%dma_start3A_377 : memref<100000x64xf32, #tpu.memory_space<hbm>>) target(%arg12 : memref<200x64xf32, #tpu.memory_space<vmem>>) offsets(%dma_start3A_374 : memref<200xi32, #tpu.memory_space<vmem>>) semaphore(%arg18 : memref<!tpu.dma_semaphore, #tpu.memory_space<semaphore_mem>>)
      %dma_wait3A_378 = arith.constant 0 : i32
      %dma_wait3A_379 = arith.constant 0 : i32
      %dma_wait3A_380 = tpu.memref_slice %arg11[%dma_wait3A_378, %dma_wait3A_379] : memref<208x64xf32, #tpu.memory_space<vmem>> -> memref<200x64xf32, #tpu.memory_space<vmem>>
      %dma_wait3A_381 = arith.constant 0 : i32
      %dma_wait3A_382 = arith.constant 0 : i32
      %dma_wait3A_383 = tpu.memref_slice %arg6[%dma_wait3A_381, %dma_wait3A_382] : memref<1000001x64xf32, #tpu.memory_space<hbm>> -> memref<200x64xf32, #tpu.memory_space<hbm>>
      %dma_wait3A_384 = arith.constant 0 : i32
      %dma_wait3A_385 = arith.constant 0 : i32
      %dma_wait3A_386 = tpu.memref_slice %arg11[%dma_wait3A_384, %dma_wait3A_385] : memref<208x64xf32, #tpu.memory_space<vmem>> -> memref<200x64xf32, #tpu.memory_space<vmem>>
      %dma_wait3A_387 = arith.constant 0 : i32
      %dma_wait3A_388 = arith.constant 0 : i32
      %dma_wait3A_389 = tpu.memref_slice %arg6[%dma_wait3A_387, %dma_wait3A_388] : memref<1000001x64xf32, #tpu.memory_space<hbm>> -> memref<200x64xf32, #tpu.memory_space<hbm>>
      tpu.wait_dma2 semaphore(%arg17 : memref<!tpu.dma_semaphore, #tpu.memory_space<semaphore_mem>>) src(%dma_wait3A_389 : memref<200x64xf32, #tpu.memory_space<hbm>>) dst(%dma_wait3A_386 : memref<200x64xf32, #tpu.memory_space<vmem>>)
      %dma_wait3A_390 = arith.constant 0 : i32
      %dma_wait3A_391 = arith.constant 0 : i32
      %dma_wait3A_392 = tpu.memref_slice %arg7[%dma_wait3A_390, %dma_wait3A_391] : memref<100000x64xf32, #tpu.memory_space<hbm>> -> memref<200x64xf32, #tpu.memory_space<hbm>>
      %dma_wait3A_393 = arith.constant 0 : i32
      %dma_wait3A_394 = arith.constant 0 : i32
      %dma_wait3A_395 = tpu.memref_slice %arg7[%dma_wait3A_393, %dma_wait3A_394] : memref<100000x64xf32, #tpu.memory_space<hbm>> -> memref<200x64xf32, #tpu.memory_space<hbm>>
      tpu.wait_dma2 semaphore(%arg19 : memref<!tpu.dma_semaphore, #tpu.memory_space<semaphore_mem>>) src(%dma_wait3A_395 : memref<200x64xf32, #tpu.memory_space<hbm>>) dst(%arg13 : memref<200x64xf32, #tpu.memory_space<vmem>>)
      %add3A_396 = arith.constant 1 : i32
      %add3A_397 = arith.addi %mul3A_322, %add3A_396 : i32
      %mul3A_398 = arith.constant 128 : i32
      %mul3A_399 = arith.muli %add3A, %mul3A_398 : i32
      %add3A_400 = arith.addi %mul3A_399, %add3A_397 : i32
      "tpu.region"() ({
        %run_scoped3A = tpu.sem_alloc : memref<!tpu.dma_semaphore, #tpu.memory_space<semaphore_mem>>
        %dma_start3A_401 = arith.constant 0 : i32
        %dma_start3A_402 = arith.constant 0 : i32
        %dma_start3A_403 = tpu.memref_slice %arg11[%dma_start3A_401, %dma_start3A_402] : memref<208x64xf32, #tpu.memory_space<vmem>> -> memref<200x64xf32, #tpu.memory_space<vmem>>
        %dma_start3A_404 = arith.constant 39 : i32
        %dma_start3A_405 = arith.constant 0 : i32
        %dma_start3A_406 = tpu.memref_slice %arg9[%add3A_400, %dma_start3A_404, %dma_start3A_405] : memref<4096x440x128xf32, #tpu.memory_space<hbm>> -> memref<1x200x64xf32, #tpu.memory_space<hbm>>
        %dma_start3A_407 = tpu.memref_squeeze %dma_start3A_406 : memref<1x200x64xf32, #tpu.memory_space<hbm>> -> memref<200x64xf32, #tpu.memory_space<hbm>>
        %dma_start3A_408 = arith.constant 39 : i32
        %dma_start3A_409 = arith.constant 0 : i32
        %dma_start3A_410 = tpu.memref_slice %arg9[%add3A_400, %dma_start3A_408, %dma_start3A_409] : memref<4096x440x128xf32, #tpu.memory_space<hbm>> -> memref<1x200x64xf32, #tpu.memory_space<hbm>>
        %dma_start3A_411 = tpu.memref_squeeze %dma_start3A_410 : memref<1x200x64xf32, #tpu.memory_space<hbm>> -> memref<200x64xf32, #tpu.memory_space<hbm>>
        %dma_start3A_412 = arith.constant 0 : i32
        %dma_start3A_413 = arith.constant 0 : i32
        %dma_start3A_414 = tpu.memref_slice %arg11[%dma_start3A_412, %dma_start3A_413] : memref<208x64xf32, #tpu.memory_space<vmem>> -> memref<200x64xf32, #tpu.memory_space<vmem>>
        tpu.enqueue_dma source(%dma_start3A_414 : memref<200x64xf32, #tpu.memory_space<vmem>>) target(%dma_start3A_411 : memref<200x64xf32, #tpu.memory_space<hbm>>) target_semaphore(%run_scoped3A : memref<!tpu.dma_semaphore, #tpu.memory_space<semaphore_mem>>)
        %dma_wait3A_415 = arith.constant 0 : i32
        %dma_wait3A_416 = arith.constant 0 : i32
        %dma_wait3A_417 = tpu.memref_slice %arg11[%dma_wait3A_415, %dma_wait3A_416] : memref<208x64xf32, #tpu.memory_space<vmem>> -> memref<200x64xf32, #tpu.memory_space<vmem>>
        %dma_wait3A_418 = arith.constant 39 : i32
        %dma_wait3A_419 = arith.constant 0 : i32
        %dma_wait3A_420 = tpu.memref_slice %arg9[%add3A_400, %dma_wait3A_418, %dma_wait3A_419] : memref<4096x440x128xf32, #tpu.memory_space<hbm>> -> memref<1x200x64xf32, #tpu.memory_space<hbm>>
        %dma_wait3A_421 = tpu.memref_squeeze %dma_wait3A_420 : memref<1x200x64xf32, #tpu.memory_space<hbm>> -> memref<200x64xf32, #tpu.memory_space<hbm>>
        %dma_wait3A_422 = arith.constant 39 : i32
        %dma_wait3A_423 = arith.constant 0 : i32
        %dma_wait3A_424 = tpu.memref_slice %arg9[%add3A_400, %dma_wait3A_422, %dma_wait3A_423] : memref<4096x440x128xf32, #tpu.memory_space<hbm>> -> memref<1x200x64xf32, #tpu.memory_space<hbm>>
        %dma_wait3A_425 = tpu.memref_squeeze %dma_wait3A_424 : memref<1x200x64xf32, #tpu.memory_space<hbm>> -> memref<200x64xf32, #tpu.memory_space<hbm>>
        %dma_wait3A_426 = arith.constant 0 : i32
        %dma_wait3A_427 = arith.constant 0 : i32
        %dma_wait3A_428 = tpu.memref_slice %arg11[%dma_wait3A_426, %dma_wait3A_427] : memref<208x64xf32, #tpu.memory_space<vmem>> -> memref<200x64xf32, #tpu.memory_space<vmem>>
        tpu.wait_dma2 semaphore(%run_scoped3A : memref<!tpu.dma_semaphore, #tpu.memory_space<semaphore_mem>>) src(%dma_wait3A_428 : memref<200x64xf32, #tpu.memory_space<vmem>>) dst(%dma_wait3A_425 : memref<200x64xf32, #tpu.memory_space<hbm>>)
        tpu.yield
      }) : () -> ()
      "tpu.region"() ({
        %run_scoped3A = tpu.sem_alloc : memref<!tpu.dma_semaphore, #tpu.memory_space<semaphore_mem>>
        %dma_start3A_401 = arith.constant 239 : i32
        %dma_start3A_402 = arith.constant 0 : i32
        %dma_start3A_403 = tpu.memref_slice %arg9[%add3A_400, %dma_start3A_401, %dma_start3A_402] : memref<4096x440x128xf32, #tpu.memory_space<hbm>> -> memref<1x200x64xf32, #tpu.memory_space<hbm>>
        %dma_start3A_404 = tpu.memref_squeeze %dma_start3A_403 : memref<1x200x64xf32, #tpu.memory_space<hbm>> -> memref<200x64xf32, #tpu.memory_space<hbm>>
        %dma_start3A_405 = arith.constant 239 : i32
        %dma_start3A_406 = arith.constant 0 : i32
        %dma_start3A_407 = tpu.memref_slice %arg9[%add3A_400, %dma_start3A_405, %dma_start3A_406] : memref<4096x440x128xf32, #tpu.memory_space<hbm>> -> memref<1x200x64xf32, #tpu.memory_space<hbm>>
        %dma_start3A_408 = tpu.memref_squeeze %dma_start3A_407 : memref<1x200x64xf32, #tpu.memory_space<hbm>> -> memref<200x64xf32, #tpu.memory_space<hbm>>
        tpu.enqueue_dma source(%arg13 : memref<200x64xf32, #tpu.memory_space<vmem>>) target(%dma_start3A_408 : memref<200x64xf32, #tpu.memory_space<hbm>>) target_semaphore(%run_scoped3A : memref<!tpu.dma_semaphore, #tpu.memory_space<semaphore_mem>>)
        %dma_wait3A_409 = arith.constant 239 : i32
        %dma_wait3A_410 = arith.constant 0 : i32
        %dma_wait3A_411 = tpu.memref_slice %arg9[%add3A_400, %dma_wait3A_409, %dma_wait3A_410] : memref<4096x440x128xf32, #tpu.memory_space<hbm>> -> memref<1x200x64xf32, #tpu.memory_space<hbm>>
        %dma_wait3A_412 = tpu.memref_squeeze %dma_wait3A_411 : memref<1x200x64xf32, #tpu.memory_space<hbm>> -> memref<200x64xf32, #tpu.memory_space<hbm>>
        %dma_wait3A_413 = arith.constant 239 : i32
        %dma_wait3A_414 = arith.constant 0 : i32
        %dma_wait3A_415 = tpu.memref_slice %arg9[%add3A_400, %dma_wait3A_413, %dma_wait3A_414] : memref<4096x440x128xf32, #tpu.memory_space<hbm>> -> memref<1x200x64xf32, #tpu.memory_space<hbm>>
        %dma_wait3A_416 = tpu.memref_squeeze %dma_wait3A_415 : memref<1x200x64xf32, #tpu.memory_space<hbm>> -> memref<200x64xf32, #tpu.memory_space<hbm>>
        tpu.wait_dma2 semaphore(%run_scoped3A : memref<!tpu.dma_semaphore, #tpu.memory_space<semaphore_mem>>) src(%arg13 : memref<200x64xf32, #tpu.memory_space<vmem>>) dst(%dma_wait3A_416 : memref<200x64xf32, #tpu.memory_space<hbm>>)
        tpu.yield
      }) : () -> ()
    }
    %scan3A_262 = arith.constant 63 : i32
    %dma_start3A_263 = arith.constant 0 : i32
    %dma_start3A_264 = arith.constant 0 : i32
    %dma_start3A_265 = tpu.memref_slice %arg11[%dma_start3A_263, %dma_start3A_264] : memref<208x64xf32, #tpu.memory_space<vmem>> -> memref<200x64xf32, #tpu.memory_space<vmem>>
    %dma_start3A_266 = arith.constant 25400 : i32
    %dma_start3A_267 = tpu.memref_slice %arg14[%dma_start3A_266] : memref<25600xi32, #tpu.memory_space<vmem>> -> memref<200xi32, #tpu.memory_space<vmem>>
    %dma_start3A_268 = arith.constant 0 : i32
    %dma_start3A_269 = arith.constant 0 : i32
    %dma_start3A_270 = tpu.memref_slice %arg6[%dma_start3A_268, %dma_start3A_269] : memref<1000001x64xf32, #tpu.memory_space<hbm>> -> memref<1000001x64xf32, #tpu.memory_space<hbm>>
    tpu.enqueue_indirect_dma source(%dma_start3A_270 : memref<1000001x64xf32, #tpu.memory_space<hbm>>) target(%dma_start3A_265 : memref<200x64xf32, #tpu.memory_space<vmem>>) offsets(%dma_start3A_267 : memref<200xi32, #tpu.memory_space<vmem>>) semaphore(%arg17 : memref<!tpu.dma_semaphore, #tpu.memory_space<semaphore_mem>>)
    %dma_start3A_271 = arith.constant 25400 : i32
    %dma_start3A_272 = tpu.memref_slice %arg15[%dma_start3A_271] : memref<25600xi32, #tpu.memory_space<vmem>> -> memref<200xi32, #tpu.memory_space<vmem>>
    %dma_start3A_273 = arith.constant 0 : i32
    %dma_start3A_274 = arith.constant 0 : i32
    %dma_start3A_275 = tpu.memref_slice %arg7[%dma_start3A_273, %dma_start3A_274] : memref<100000x64xf32, #tpu.memory_space<hbm>> -> memref<100000x64xf32, #tpu.memory_space<hbm>>
    tpu.enqueue_indirect_dma source(%dma_start3A_275 : memref<100000x64xf32, #tpu.memory_space<hbm>>) target(%arg13 : memref<200x64xf32, #tpu.memory_space<vmem>>) offsets(%dma_start3A_272 : memref<200xi32, #tpu.memory_space<vmem>>) semaphore(%arg19 : memref<!tpu.dma_semaphore, #tpu.memory_space<semaphore_mem>>)
    %dma_wait3A_276 = arith.constant 0 : i32
    %dma_wait3A_277 = arith.constant 0 : i32
    %dma_wait3A_278 = tpu.memref_slice %arg10[%dma_wait3A_276, %dma_wait3A_277] : memref<208x64xf32, #tpu.memory_space<vmem>> -> memref<200x64xf32, #tpu.memory_space<vmem>>
    %dma_wait3A_279 = arith.constant 0 : i32
    %dma_wait3A_280 = arith.constant 0 : i32
    %dma_wait3A_281 = tpu.memref_slice %arg6[%dma_wait3A_279, %dma_wait3A_280] : memref<1000001x64xf32, #tpu.memory_space<hbm>> -> memref<200x64xf32, #tpu.memory_space<hbm>>
    %dma_wait3A_282 = arith.constant 0 : i32
    %dma_wait3A_283 = arith.constant 0 : i32
    %dma_wait3A_284 = tpu.memref_slice %arg10[%dma_wait3A_282, %dma_wait3A_283] : memref<208x64xf32, #tpu.memory_space<vmem>> -> memref<200x64xf32, #tpu.memory_space<vmem>>
    %dma_wait3A_285 = arith.constant 0 : i32
    %dma_wait3A_286 = arith.constant 0 : i32
    %dma_wait3A_287 = tpu.memref_slice %arg6[%dma_wait3A_285, %dma_wait3A_286] : memref<1000001x64xf32, #tpu.memory_space<hbm>> -> memref<200x64xf32, #tpu.memory_space<hbm>>
    tpu.wait_dma2 semaphore(%arg16 : memref<!tpu.dma_semaphore, #tpu.memory_space<semaphore_mem>>) src(%dma_wait3A_287 : memref<200x64xf32, #tpu.memory_space<hbm>>) dst(%dma_wait3A_284 : memref<200x64xf32, #tpu.memory_space<vmem>>)
    %dma_wait3A_288 = arith.constant 0 : i32
    %dma_wait3A_289 = arith.constant 0 : i32
    %dma_wait3A_290 = tpu.memref_slice %arg7[%dma_wait3A_288, %dma_wait3A_289] : memref<100000x64xf32, #tpu.memory_space<hbm>> -> memref<200x64xf32, #tpu.memory_space<hbm>>
    %dma_wait3A_291 = arith.constant 0 : i32
    %dma_wait3A_292 = arith.constant 0 : i32
    %dma_wait3A_293 = tpu.memref_slice %arg7[%dma_wait3A_291, %dma_wait3A_292] : memref<100000x64xf32, #tpu.memory_space<hbm>> -> memref<200x64xf32, #tpu.memory_space<hbm>>
    tpu.wait_dma2 semaphore(%arg18 : memref<!tpu.dma_semaphore, #tpu.memory_space<semaphore_mem>>) src(%dma_wait3A_293 : memref<200x64xf32, #tpu.memory_space<hbm>>) dst(%arg12 : memref<200x64xf32, #tpu.memory_space<vmem>>)
    %mul3A_294 = arith.constant 128 : i32
    %mul3A_295 = arith.muli %add3A, %mul3A_294 : i32
    %add3A_296 = arith.constant 126 : i32
    %add3A_297 = arith.addi %mul3A_295, %add3A_296 : i32
    "tpu.region"() ({
      %run_scoped3A = tpu.sem_alloc : memref<!tpu.dma_semaphore, #tpu.memory_space<semaphore_mem>>
      %dma_start3A_320 = arith.constant 0 : i32
      %dma_start3A_321 = arith.constant 0 : i32
      %dma_start3A_322 = tpu.memref_slice %arg10[%dma_start3A_320, %dma_start3A_321] : memref<208x64xf32, #tpu.memory_space<vmem>> -> memref<200x64xf32, #tpu.memory_space<vmem>>
      %dma_start3A_323 = arith.constant 39 : i32
      %dma_start3A_324 = arith.constant 0 : i32
      %dma_start3A_325 = tpu.memref_slice %arg9[%add3A_297, %dma_start3A_323, %dma_start3A_324] : memref<4096x440x128xf32, #tpu.memory_space<hbm>> -> memref<1x200x64xf32, #tpu.memory_space<hbm>>
      %dma_start3A_326 = tpu.memref_squeeze %dma_start3A_325 : memref<1x200x64xf32, #tpu.memory_space<hbm>> -> memref<200x64xf32, #tpu.memory_space<hbm>>
      %dma_start3A_327 = arith.constant 39 : i32
      %dma_start3A_328 = arith.constant 0 : i32
      %dma_start3A_329 = tpu.memref_slice %arg9[%add3A_297, %dma_start3A_327, %dma_start3A_328] : memref<4096x440x128xf32, #tpu.memory_space<hbm>> -> memref<1x200x64xf32, #tpu.memory_space<hbm>>
      %dma_start3A_330 = tpu.memref_squeeze %dma_start3A_329 : memref<1x200x64xf32, #tpu.memory_space<hbm>> -> memref<200x64xf32, #tpu.memory_space<hbm>>
      %dma_start3A_331 = arith.constant 0 : i32
      %dma_start3A_332 = arith.constant 0 : i32
      %dma_start3A_333 = tpu.memref_slice %arg10[%dma_start3A_331, %dma_start3A_332] : memref<208x64xf32, #tpu.memory_space<vmem>> -> memref<200x64xf32, #tpu.memory_space<vmem>>
      tpu.enqueue_dma source(%dma_start3A_333 : memref<200x64xf32, #tpu.memory_space<vmem>>) target(%dma_start3A_330 : memref<200x64xf32, #tpu.memory_space<hbm>>) target_semaphore(%run_scoped3A : memref<!tpu.dma_semaphore, #tpu.memory_space<semaphore_mem>>)
      %dma_wait3A_334 = arith.constant 0 : i32
      %dma_wait3A_335 = arith.constant 0 : i32
      %dma_wait3A_336 = tpu.memref_slice %arg10[%dma_wait3A_334, %dma_wait3A_335] : memref<208x64xf32, #tpu.memory_space<vmem>> -> memref<200x64xf32, #tpu.memory_space<vmem>>
      %dma_wait3A_337 = arith.constant 39 : i32
      %dma_wait3A_338 = arith.constant 0 : i32
      %dma_wait3A_339 = tpu.memref_slice %arg9[%add3A_297, %dma_wait3A_337, %dma_wait3A_338] : memref<4096x440x128xf32, #tpu.memory_space<hbm>> -> memref<1x200x64xf32, #tpu.memory_space<hbm>>
      %dma_wait3A_340 = tpu.memref_squeeze %dma_wait3A_339 : memref<1x200x64xf32, #tpu.memory_space<hbm>> -> memref<200x64xf32, #tpu.memory_space<hbm>>
      %dma_wait3A_341 = arith.constant 39 : i32
      %dma_wait3A_342 = arith.constant 0 : i32
      %dma_wait3A_343 = tpu.memref_slice %arg9[%add3A_297, %dma_wait3A_341, %dma_wait3A_342] : memref<4096x440x128xf32, #tpu.memory_space<hbm>> -> memref<1x200x64xf32, #tpu.memory_space<hbm>>
      %dma_wait3A_344 = tpu.memref_squeeze %dma_wait3A_343 : memref<1x200x64xf32, #tpu.memory_space<hbm>> -> memref<200x64xf32, #tpu.memory_space<hbm>>
      %dma_wait3A_345 = arith.constant 0 : i32
      %dma_wait3A_346 = arith.constant 0 : i32
      %dma_wait3A_347 = tpu.memref_slice %arg10[%dma_wait3A_345, %dma_wait3A_346] : memref<208x64xf32, #tpu.memory_space<vmem>> -> memref<200x64xf32, #tpu.memory_space<vmem>>
      tpu.wait_dma2 semaphore(%run_scoped3A : memref<!tpu.dma_semaphore, #tpu.memory_space<semaphore_mem>>) src(%dma_wait3A_347 : memref<200x64xf32, #tpu.memory_space<vmem>>) dst(%dma_wait3A_344 : memref<200x64xf32, #tpu.memory_space<hbm>>)
      tpu.yield
    }) : () -> ()
    "tpu.region"() ({
      %run_scoped3A = tpu.sem_alloc : memref<!tpu.dma_semaphore, #tpu.memory_space<semaphore_mem>>
      %dma_start3A_320 = arith.constant 239 : i32
      %dma_start3A_321 = arith.constant 0 : i32
      %dma_start3A_322 = tpu.memref_slice %arg9[%add3A_297, %dma_start3A_320, %dma_start3A_321] : memref<4096x440x128xf32, #tpu.memory_space<hbm>> -> memref<1x200x64xf32, #tpu.memory_space<hbm>>
      %dma_start3A_323 = tpu.memref_squeeze %dma_start3A_322 : memref<1x200x64xf32, #tpu.memory_space<hbm>> -> memref<200x64xf32, #tpu.memory_space<hbm>>
      %dma_start3A_324 = arith.constant 239 : i32
      %dma_start3A_325 = arith.constant 0 : i32
      %dma_start3A_326 = tpu.memref_slice %arg9[%add3A_297, %dma_start3A_324, %dma_start3A_325] : memref<4096x440x128xf32, #tpu.memory_space<hbm>> -> memref<1x200x64xf32, #tpu.memory_space<hbm>>
      %dma_start3A_327 = tpu.memref_squeeze %dma_start3A_326 : memref<1x200x64xf32, #tpu.memory_space<hbm>> -> memref<200x64xf32, #tpu.memory_space<hbm>>
      tpu.enqueue_dma source(%arg12 : memref<200x64xf32, #tpu.memory_space<vmem>>) target(%dma_start3A_327 : memref<200x64xf32, #tpu.memory_space<hbm>>) target_semaphore(%run_scoped3A : memref<!tpu.dma_semaphore, #tpu.memory_space<semaphore_mem>>)
      %dma_wait3A_328 = arith.constant 239 : i32
      %dma_wait3A_329 = arith.constant 0 : i32
      %dma_wait3A_330 = tpu.memref_slice %arg9[%add3A_297, %dma_wait3A_328, %dma_wait3A_329] : memref<4096x440x128xf32, #tpu.memory_space<hbm>> -> memref<1x200x64xf32, #tpu.memory_space<hbm>>
      %dma_wait3A_331 = tpu.memref_squeeze %dma_wait3A_330 : memref<1x200x64xf32, #tpu.memory_space<hbm>> -> memref<200x64xf32, #tpu.memory_space<hbm>>
      %dma_wait3A_332 = arith.constant 239 : i32
      %dma_wait3A_333 = arith.constant 0 : i32
      %dma_wait3A_334 = tpu.memref_slice %arg9[%add3A_297, %dma_wait3A_332, %dma_wait3A_333] : memref<4096x440x128xf32, #tpu.memory_space<hbm>> -> memref<1x200x64xf32, #tpu.memory_space<hbm>>
      %dma_wait3A_335 = tpu.memref_squeeze %dma_wait3A_334 : memref<1x200x64xf32, #tpu.memory_space<hbm>> -> memref<200x64xf32, #tpu.memory_space<hbm>>
      tpu.wait_dma2 semaphore(%run_scoped3A : memref<!tpu.dma_semaphore, #tpu.memory_space<semaphore_mem>>) src(%arg12 : memref<200x64xf32, #tpu.memory_space<vmem>>) dst(%dma_wait3A_335 : memref<200x64xf32, #tpu.memory_space<hbm>>)
      tpu.yield
    }) : () -> ()
    %dma_wait3A_298 = arith.constant 0 : i32
    %dma_wait3A_299 = arith.constant 0 : i32
    %dma_wait3A_300 = tpu.memref_slice %arg11[%dma_wait3A_298, %dma_wait3A_299] : memref<208x64xf32, #tpu.memory_space<vmem>> -> memref<200x64xf32, #tpu.memory_space<vmem>>
    %dma_wait3A_301 = arith.constant 0 : i32
    %dma_wait3A_302 = arith.constant 0 : i32
    %dma_wait3A_303 = tpu.memref_slice %arg6[%dma_wait3A_301, %dma_wait3A_302] : memref<1000001x64xf32, #tpu.memory_space<hbm>> -> memref<200x64xf32, #tpu.memory_space<hbm>>
    %dma_wait3A_304 = arith.constant 0 : i32
    %dma_wait3A_305 = arith.constant 0 : i32
    %dma_wait3A_306 = tpu.memref_slice %arg11[%dma_wait3A_304, %dma_wait3A_305] : memref<208x64xf32, #tpu.memory_space<vmem>> -> memref<200x64xf32, #tpu.memory_space<vmem>>
    %dma_wait3A_307 = arith.constant 0 : i32
    %dma_wait3A_308 = arith.constant 0 : i32
    %dma_wait3A_309 = tpu.memref_slice %arg6[%dma_wait3A_307, %dma_wait3A_308] : memref<1000001x64xf32, #tpu.memory_space<hbm>> -> memref<200x64xf32, #tpu.memory_space<hbm>>
    tpu.wait_dma2 semaphore(%arg17 : memref<!tpu.dma_semaphore, #tpu.memory_space<semaphore_mem>>) src(%dma_wait3A_309 : memref<200x64xf32, #tpu.memory_space<hbm>>) dst(%dma_wait3A_306 : memref<200x64xf32, #tpu.memory_space<vmem>>)
    %dma_wait3A_310 = arith.constant 0 : i32
    %dma_wait3A_311 = arith.constant 0 : i32
    %dma_wait3A_312 = tpu.memref_slice %arg7[%dma_wait3A_310, %dma_wait3A_311] : memref<100000x64xf32, #tpu.memory_space<hbm>> -> memref<200x64xf32, #tpu.memory_space<hbm>>
    %dma_wait3A_313 = arith.constant 0 : i32
    %dma_wait3A_314 = arith.constant 0 : i32
    %dma_wait3A_315 = tpu.memref_slice %arg7[%dma_wait3A_313, %dma_wait3A_314] : memref<100000x64xf32, #tpu.memory_space<hbm>> -> memref<200x64xf32, #tpu.memory_space<hbm>>
    tpu.wait_dma2 semaphore(%arg19 : memref<!tpu.dma_semaphore, #tpu.memory_space<semaphore_mem>>) src(%dma_wait3A_315 : memref<200x64xf32, #tpu.memory_space<hbm>>) dst(%arg13 : memref<200x64xf32, #tpu.memory_space<vmem>>)
    %mul3A_316 = arith.constant 128 : i32
    %mul3A_317 = arith.muli %add3A, %mul3A_316 : i32
    %add3A_318 = arith.constant 127 : i32
    %add3A_319 = arith.addi %mul3A_317, %add3A_318 : i32
    "tpu.region"() ({
      %run_scoped3A = tpu.sem_alloc : memref<!tpu.dma_semaphore, #tpu.memory_space<semaphore_mem>>
      %dma_start3A_320 = arith.constant 0 : i32
      %dma_start3A_321 = arith.constant 0 : i32
      %dma_start3A_322 = tpu.memref_slice %arg11[%dma_start3A_320, %dma_start3A_321] : memref<208x64xf32, #tpu.memory_space<vmem>> -> memref<200x64xf32, #tpu.memory_space<vmem>>
      %dma_start3A_323 = arith.constant 39 : i32
      %dma_start3A_324 = arith.constant 0 : i32
      %dma_start3A_325 = tpu.memref_slice %arg9[%add3A_319, %dma_start3A_323, %dma_start3A_324] : memref<4096x440x128xf32, #tpu.memory_space<hbm>> -> memref<1x200x64xf32, #tpu.memory_space<hbm>>
      %dma_start3A_326 = tpu.memref_squeeze %dma_start3A_325 : memref<1x200x64xf32, #tpu.memory_space<hbm>> -> memref<200x64xf32, #tpu.memory_space<hbm>>
      %dma_start3A_327 = arith.constant 39 : i32
      %dma_start3A_328 = arith.constant 0 : i32
      %dma_start3A_329 = tpu.memref_slice %arg9[%add3A_319, %dma_start3A_327, %dma_start3A_328] : memref<4096x440x128xf32, #tpu.memory_space<hbm>> -> memref<1x200x64xf32, #tpu.memory_space<hbm>>
      %dma_start3A_330 = tpu.memref_squeeze %dma_start3A_329 : memref<1x200x64xf32, #tpu.memory_space<hbm>> -> memref<200x64xf32, #tpu.memory_space<hbm>>
      %dma_start3A_331 = arith.constant 0 : i32
      %dma_start3A_332 = arith.constant 0 : i32
      %dma_start3A_333 = tpu.memref_slice %arg11[%dma_start3A_331, %dma_start3A_332] : memref<208x64xf32, #tpu.memory_space<vmem>> -> memref<200x64xf32, #tpu.memory_space<vmem>>
      tpu.enqueue_dma source(%dma_start3A_333 : memref<200x64xf32, #tpu.memory_space<vmem>>) target(%dma_start3A_330 : memref<200x64xf32, #tpu.memory_space<hbm>>) target_semaphore(%run_scoped3A : memref<!tpu.dma_semaphore, #tpu.memory_space<semaphore_mem>>)
      %dma_wait3A_334 = arith.constant 0 : i32
      %dma_wait3A_335 = arith.constant 0 : i32
      %dma_wait3A_336 = tpu.memref_slice %arg11[%dma_wait3A_334, %dma_wait3A_335] : memref<208x64xf32, #tpu.memory_space<vmem>> -> memref<200x64xf32, #tpu.memory_space<vmem>>
      %dma_wait3A_337 = arith.constant 39 : i32
      %dma_wait3A_338 = arith.constant 0 : i32
      %dma_wait3A_339 = tpu.memref_slice %arg9[%add3A_319, %dma_wait3A_337, %dma_wait3A_338] : memref<4096x440x128xf32, #tpu.memory_space<hbm>> -> memref<1x200x64xf32, #tpu.memory_space<hbm>>
      %dma_wait3A_340 = tpu.memref_squeeze %dma_wait3A_339 : memref<1x200x64xf32, #tpu.memory_space<hbm>> -> memref<200x64xf32, #tpu.memory_space<hbm>>
      %dma_wait3A_341 = arith.constant 39 : i32
      %dma_wait3A_342 = arith.constant 0 : i32
      %dma_wait3A_343 = tpu.memref_slice %arg9[%add3A_319, %dma_wait3A_341, %dma_wait3A_342] : memref<4096x440x128xf32, #tpu.memory_space<hbm>> -> memref<1x200x64xf32, #tpu.memory_space<hbm>>
      %dma_wait3A_344 = tpu.memref_squeeze %dma_wait3A_343 : memref<1x200x64xf32, #tpu.memory_space<hbm>> -> memref<200x64xf32, #tpu.memory_space<hbm>>
      %dma_wait3A_345 = arith.constant 0 : i32
      %dma_wait3A_346 = arith.constant 0 : i32
      %dma_wait3A_347 = tpu.memref_slice %arg11[%dma_wait3A_345, %dma_wait3A_346] : memref<208x64xf32, #tpu.memory_space<vmem>> -> memref<200x64xf32, #tpu.memory_space<vmem>>
      tpu.wait_dma2 semaphore(%run_scoped3A : memref<!tpu.dma_semaphore, #tpu.memory_space<semaphore_mem>>) src(%dma_wait3A_347 : memref<200x64xf32, #tpu.memory_space<vmem>>) dst(%dma_wait3A_344 : memref<200x64xf32, #tpu.memory_space<hbm>>)
      tpu.yield
    }) : () -> ()
    "tpu.region"() ({
      %run_scoped3A = tpu.sem_alloc : memref<!tpu.dma_semaphore, #tpu.memory_space<semaphore_mem>>
      %dma_start3A_320 = arith.constant 239 : i32
      %dma_start3A_321 = arith.constant 0 : i32
      %dma_start3A_322 = tpu.memref_slice %arg9[%add3A_319, %dma_start3A_320, %dma_start3A_321] : memref<4096x440x128xf32, #tpu.memory_space<hbm>> -> memref<1x200x64xf32, #tpu.memory_space<hbm>>
      %dma_start3A_323 = tpu.memref_squeeze %dma_start3A_322 : memref<1x200x64xf32, #tpu.memory_space<hbm>> -> memref<200x64xf32, #tpu.memory_space<hbm>>
      %dma_start3A_324 = arith.constant 239 : i32
      %dma_start3A_325 = arith.constant 0 : i32
      %dma_start3A_326 = tpu.memref_slice %arg9[%add3A_319, %dma_start3A_324, %dma_start3A_325] : memref<4096x440x128xf32, #tpu.memory_space<hbm>> -> memref<1x200x64xf32, #tpu.memory_space<hbm>>
      %dma_start3A_327 = tpu.memref_squeeze %dma_start3A_326 : memref<1x200x64xf32, #tpu.memory_space<hbm>> -> memref<200x64xf32, #tpu.memory_space<hbm>>
      tpu.enqueue_dma source(%arg13 : memref<200x64xf32, #tpu.memory_space<vmem>>) target(%dma_start3A_327 : memref<200x64xf32, #tpu.memory_space<hbm>>) target_semaphore(%run_scoped3A : memref<!tpu.dma_semaphore, #tpu.memory_space<semaphore_mem>>)
      %dma_wait3A_328 = arith.constant 239 : i32
      %dma_wait3A_329 = arith.constant 0 : i32
      %dma_wait3A_330 = tpu.memref_slice %arg9[%add3A_319, %dma_wait3A_328, %dma_wait3A_329] : memref<4096x440x128xf32, #tpu.memory_space<hbm>> -> memref<1x200x64xf32, #tpu.memory_space<hbm>>
      %dma_wait3A_331 = tpu.memref_squeeze %dma_wait3A_330 : memref<1x200x64xf32, #tpu.memory_space<hbm>> -> memref<200x64xf32, #tpu.memory_space<hbm>>
      %dma_wait3A_332 = arith.constant 239 : i32
      %dma_wait3A_333 = arith.constant 0 : i32
      %dma_wait3A_334 = tpu.memref_slice %arg9[%add3A_319, %dma_wait3A_332, %dma_wait3A_333] : memref<4096x440x128xf32, #tpu.memory_space<hbm>> -> memref<1x200x64xf32, #tpu.memory_space<hbm>>
      %dma_wait3A_335 = tpu.memref_squeeze %dma_wait3A_334 : memref<1x200x64xf32, #tpu.memory_space<hbm>> -> memref<200x64xf32, #tpu.memory_space<hbm>>
      tpu.wait_dma2 semaphore(%run_scoped3A : memref<!tpu.dma_semaphore, #tpu.memory_space<semaphore_mem>>) src(%arg13 : memref<200x64xf32, #tpu.memory_space<vmem>>) dst(%dma_wait3A_335 : memref<200x64xf32, #tpu.memory_space<hbm>>)
      tpu.yield
    }) : () -> ()
    return
  }
}

module attributes {stable_mosaic.version = 14 : i64} {
  func.func @_tc_feat(%arg0: i32, %arg1: memref<256x40x128xf32, #tpu.memory_space<vmem>>, %arg2: memref<6656x64xf32, #tpu.memory_space<vmem>>, %arg3: memref<256x13xf32, #tpu.memory_space<vmem>>, %arg4: memref<13x64xf32, #tpu.memory_space<vmem>>, %arg5: memref<13x64xf32, #tpu.memory_space<vmem>>, %arg6: memref<64x64xf32, #tpu.memory_space<vmem>>, %arg7: memref<1x64xf32, #tpu.memory_space<vmem>>, %arg8: memref<1x64xf32, #tpu.memory_space<vmem>>, %arg9: memref<1x64xf32, #tpu.memory_space<vmem>>, %arg10: memref<256x40x128xf32, #tpu.memory_space<vmem>>) attributes {dimension_semantics = [#tpu.dimension_semantics<arbitrary>], iteration_bounds = array<i64: 16>, scalar_prefetch = 0 : i64, scratch_operands = 0 : i64, tpu.core_type = #tpu.core_type<tc>, window_params = [{transform_indices = @transform_0, window_bounds = array<i64: 256, 40, 128>}, {transform_indices = @transform_1, window_bounds = array<i64: 6656, 64>}, {transform_indices = @transform_2, window_bounds = array<i64: 256, 13>}, {pipeline_mode = #tpu.pipeline_mode<synchronous>, transform_indices = @transform_3, window_bounds = array<i64: 13, 64>}, {pipeline_mode = #tpu.pipeline_mode<synchronous>, transform_indices = @transform_4, window_bounds = array<i64: 13, 64>}, {pipeline_mode = #tpu.pipeline_mode<synchronous>, transform_indices = @transform_5, window_bounds = array<i64: 64, 64>}, {pipeline_mode = #tpu.pipeline_mode<synchronous>, transform_indices = @transform_6, window_bounds = array<i64: 1, 64>}, {pipeline_mode = #tpu.pipeline_mode<synchronous>, transform_indices = @transform_7, window_bounds = array<i64: 1, 64>}, {pipeline_mode = #tpu.pipeline_mode<synchronous>, transform_indices = @transform_8, window_bounds = array<i64: 1, 64>}, {transform_indices = @transform_9, window_bounds = array<i64: 256, 40, 128>}]} {
    %get3A = arith.constant 0 : index
    %get3A_0 = arith.constant 0 : index
    %get3A_1 = vector.load %arg6[%get3A, %get3A_0] : memref<64x64xf32, #tpu.memory_space<vmem>>, vector<64x64xf32>
    %get3A_2 = arith.constant 0 : index
    %get3A_3 = arith.constant 0 : index
    %get3A_4 = vector.load %arg7[%get3A_2, %get3A_3] : memref<1x64xf32, #tpu.memory_space<vmem>>, vector<1x64xf32>
    %get3A_5 = arith.constant 0 : index
    %get3A_6 = arith.constant 0 : index
    %get3A_7 = vector.load %arg8[%get3A_5, %get3A_6] : memref<1x64xf32, #tpu.memory_space<vmem>>, vector<1x64xf32>
    %get3A_8 = arith.constant 0 : index
    %get3A_9 = arith.constant 0 : index
    %get3A_10 = vector.load %arg9[%get3A_8, %get3A_9] : memref<1x64xf32, #tpu.memory_space<vmem>>, vector<1x64xf32>
    %get3A_11 = arith.constant 0 : index
    %get3A_12 = arith.constant 0 : index
    %get3A_13 = vector.load %arg2[%get3A_11, %get3A_12] : memref<6656x64xf32, #tpu.memory_space<vmem>>, vector<6656x64xf32>
    %dot_general3A = arith.constant dense<0.000000e+00> : vector<6656x64xf32>
    %dot_general3A_14 = tpu.matmul %get3A_13, %get3A_1, %dot_general3A {dimension_numbers = #tpu.dot_dimension_numbers<[1], [1], [0], [0], [0, 0, 1, 0], [], []>, transpose_lhs_hint = false} : vector<6656x64xf32>, vector<64x64xf32>, vector<6656x64xf32> -> vector<6656x64xf32>
    %add3A = vector.broadcast %get3A_4 : vector<1x64xf32> to vector<6656x64xf32>
    %add3A_15 = arith.addf %dot_general3A_14, %add3A : vector<6656x64xf32>
    %mul3A = arith.constant 5.000000e-01 : f32
    %mul3A_16 = vector.broadcast %mul3A : f32 to vector<6656x64xf32>
    %mul3A_17 = arith.mulf %mul3A_16, %add3A_15 : vector<6656x64xf32>
    %mul3A_18 = arith.constant 0.707106769 : f32
    %mul3A_19 = vector.broadcast %mul3A_18 : f32 to vector<6656x64xf32>
    %mul3A_20 = arith.mulf %add3A_15, %mul3A_19 : vector<6656x64xf32>
    %erf3A = math.erf %mul3A_20 : vector<6656x64xf32>
    %add3A_21 = arith.constant 1.000000e+00 : f32
    %add3A_22 = vector.broadcast %add3A_21 : f32 to vector<6656x64xf32>
    %add3A_23 = arith.addf %add3A_22, %erf3A : vector<6656x64xf32>
    %mul3A_24 = arith.mulf %mul3A_17, %add3A_23 : vector<6656x64xf32>
    %reduce_sum3A = arith.constant dense<0.000000e+00> : vector<6656xf32>
    %reduce_sum3A_25 = vector.multi_reduction <add>, %mul3A_24, %reduce_sum3A [1] : vector<6656x64xf32> to vector<6656xf32>
    %broadcast_in_dim3A = vector.shape_cast %reduce_sum3A_25 : vector<6656xf32> to vector<6656x1xf32>
    %div3A = arith.constant 6.400000e+01 : f32
    %div3A_26 = vector.broadcast %div3A : f32 to vector<6656x1xf32>
    %div3A_27 = arith.divf %broadcast_in_dim3A, %div3A_26 : vector<6656x1xf32>
    %sub3A = vector.broadcast %div3A_27 : vector<6656x1xf32> to vector<6656x64xf32>
    %sub3A_28 = arith.subf %mul3A_24, %sub3A : vector<6656x64xf32>
    %mul3A_29 = arith.mulf %sub3A_28, %sub3A_28 : vector<6656x64xf32>
    %reduce_sum3A_30 = arith.constant dense<0.000000e+00> : vector<6656xf32>
    %reduce_sum3A_31 = vector.multi_reduction <add>, %mul3A_29, %reduce_sum3A_30 [1] : vector<6656x64xf32> to vector<6656xf32>
    %broadcast_in_dim3A_32 = vector.shape_cast %reduce_sum3A_31 : vector<6656xf32> to vector<6656x1xf32>
    %div3A_33 = arith.constant 6.400000e+01 : f32
    %div3A_34 = vector.broadcast %div3A_33 : f32 to vector<6656x1xf32>
    %div3A_35 = arith.divf %broadcast_in_dim3A_32, %div3A_34 : vector<6656x1xf32>
    %add3A_36 = arith.constant 9.99999974E-6 : f32
    %add3A_37 = vector.broadcast %add3A_36 : f32 to vector<6656x1xf32>
    %add3A_38 = arith.addf %div3A_35, %add3A_37 : vector<6656x1xf32>
    %rsqrt3A = math.rsqrt %add3A_38 : vector<6656x1xf32>
    %mul3A_39 = vector.broadcast %rsqrt3A : vector<6656x1xf32> to vector<6656x64xf32>
    %mul3A_40 = arith.mulf %sub3A_28, %mul3A_39 : vector<6656x64xf32>
    %mul3A_41 = vector.broadcast %get3A_7 : vector<1x64xf32> to vector<6656x64xf32>
    %mul3A_42 = arith.mulf %mul3A_40, %mul3A_41 : vector<6656x64xf32>
    %add3A_43 = vector.broadcast %get3A_10 : vector<1x64xf32> to vector<6656x64xf32>
    %add3A_44 = arith.addf %mul3A_42, %add3A_43 : vector<6656x64xf32>
    %reshape3A = vector.shape_cast %add3A_44 : vector<6656x64xf32> to vector<256x26x64xf32>
    %get3A_45 = arith.constant 0 : index
    %get3A_46 = arith.constant 0 : index
    %get3A_47 = vector.load %arg3[%get3A_45, %get3A_46] : memref<256x13xf32, #tpu.memory_space<vmem>>, vector<256x13xf32>
    %get3A_48 = arith.constant 0 : index
    %get3A_49 = arith.constant 0 : index
    %get3A_50 = vector.load %arg4[%get3A_48, %get3A_49] : memref<13x64xf32, #tpu.memory_space<vmem>>, vector<13x64xf32>
    %dot_general3A_51 = arith.constant dense<0.000000e+00> : vector<13x64xf32>
    %dot_general3A_52 = tpu.matmul %get3A_50, %get3A_1, %dot_general3A_51 {dimension_numbers = #tpu.dot_dimension_numbers<[1], [1], [0], [0], [0, 0, 1, 0], [], []>, transpose_lhs_hint = false} : vector<13x64xf32>, vector<64x64xf32>, vector<13x64xf32> -> vector<13x64xf32>
    %get3A_53 = arith.constant 0 : index
    %get3A_54 = arith.constant 0 : index
    %get3A_55 = vector.load %arg5[%get3A_53, %get3A_54] : memref<13x64xf32, #tpu.memory_space<vmem>>, vector<13x64xf32>
    %dot_general3A_56 = arith.constant dense<0.000000e+00> : vector<13x64xf32>
    %dot_general3A_57 = tpu.matmul %get3A_55, %get3A_1, %dot_general3A_56 {dimension_numbers = #tpu.dot_dimension_numbers<[1], [1], [0], [0], [0, 0, 1, 0], [], []>, transpose_lhs_hint = false} : vector<13x64xf32>, vector<64x64xf32>, vector<13x64xf32> -> vector<13x64xf32>
    %add3A_58 = vector.broadcast %get3A_4 : vector<1x64xf32> to vector<13x64xf32>
    %add3A_59 = arith.addf %dot_general3A_57, %add3A_58 : vector<13x64xf32>
    %broadcast_in_dim3A_60 = vector.shape_cast %get3A_47 : vector<256x13xf32> to vector<256x13x1xf32>
    %broadcast_in_dim3A_61 = vector.shape_cast %dot_general3A_52 : vector<13x64xf32> to vector<1x13x64xf32>
    %mul3A_62 = vector.broadcast %broadcast_in_dim3A_60 : vector<256x13x1xf32> to vector<256x13x64xf32>
    %mul3A_63 = vector.broadcast %broadcast_in_dim3A_61 : vector<1x13x64xf32> to vector<256x13x64xf32>
    %mul3A_64 = arith.mulf %mul3A_62, %mul3A_63 : vector<256x13x64xf32>
    %broadcast_in_dim3A_65 = vector.shape_cast %add3A_59 : vector<13x64xf32> to vector<1x13x64xf32>
    %add3A_66 = vector.broadcast %broadcast_in_dim3A_65 : vector<1x13x64xf32> to vector<256x13x64xf32>
    %add3A_67 = arith.addf %mul3A_64, %add3A_66 : vector<256x13x64xf32>
    %mul3A_68 = arith.constant 5.000000e-01 : f32
    %mul3A_69 = vector.broadcast %mul3A_68 : f32 to vector<256x13x64xf32>
    %mul3A_70 = arith.mulf %mul3A_69, %add3A_67 : vector<256x13x64xf32>
    %mul3A_71 = arith.constant 0.707106769 : f32
    %mul3A_72 = vector.broadcast %mul3A_71 : f32 to vector<256x13x64xf32>
    %mul3A_73 = arith.mulf %add3A_67, %mul3A_72 : vector<256x13x64xf32>
    %erf3A_74 = math.erf %mul3A_73 : vector<256x13x64xf32>
    %add3A_75 = arith.constant 1.000000e+00 : f32
    %add3A_76 = vector.broadcast %add3A_75 : f32 to vector<256x13x64xf32>
    %add3A_77 = arith.addf %add3A_76, %erf3A_74 : vector<256x13x64xf32>
    %mul3A_78 = arith.mulf %mul3A_70, %add3A_77 : vector<256x13x64xf32>
    %broadcast_in_dim3A_79 = vector.shape_cast %get3A_7 : vector<1x64xf32> to vector<1x1x64xf32>
    %broadcast_in_dim3A_80 = vector.shape_cast %get3A_10 : vector<1x64xf32> to vector<1x1x64xf32>
    %reduce_sum3A_81 = arith.constant dense<0.000000e+00> : vector<256x13xf32>
    %reduce_sum3A_82 = vector.multi_reduction <add>, %mul3A_78, %reduce_sum3A_81 [2] : vector<256x13x64xf32> to vector<256x13xf32>
    %broadcast_in_dim3A_83 = vector.shape_cast %reduce_sum3A_82 : vector<256x13xf32> to vector<256x13x1xf32>
    %div3A_84 = arith.constant 6.400000e+01 : f32
    %div3A_85 = vector.broadcast %div3A_84 : f32 to vector<256x13x1xf32>
    %div3A_86 = arith.divf %broadcast_in_dim3A_83, %div3A_85 : vector<256x13x1xf32>
    %sub3A_87 = vector.broadcast %div3A_86 : vector<256x13x1xf32> to vector<256x13x64xf32>
    %sub3A_88 = arith.subf %mul3A_78, %sub3A_87 : vector<256x13x64xf32>
    %mul3A_89 = arith.mulf %sub3A_88, %sub3A_88 : vector<256x13x64xf32>
    %reduce_sum3A_90 = arith.constant dense<0.000000e+00> : vector<256x13xf32>
    %reduce_sum3A_91 = vector.multi_reduction <add>, %mul3A_89, %reduce_sum3A_90 [2] : vector<256x13x64xf32> to vector<256x13xf32>
    %broadcast_in_dim3A_92 = vector.shape_cast %reduce_sum3A_91 : vector<256x13xf32> to vector<256x13x1xf32>
    %div3A_93 = arith.constant 6.400000e+01 : f32
    %div3A_94 = vector.broadcast %div3A_93 : f32 to vector<256x13x1xf32>
    %div3A_95 = arith.divf %broadcast_in_dim3A_92, %div3A_94 : vector<256x13x1xf32>
    %add3A_96 = arith.constant 9.99999974E-6 : f32
    %add3A_97 = vector.broadcast %add3A_96 : f32 to vector<256x13x1xf32>
    %add3A_98 = arith.addf %div3A_95, %add3A_97 : vector<256x13x1xf32>
    %rsqrt3A_99 = math.rsqrt %add3A_98 : vector<256x13x1xf32>
    %mul3A_100 = vector.broadcast %rsqrt3A_99 : vector<256x13x1xf32> to vector<256x13x64xf32>
    %mul3A_101 = arith.mulf %sub3A_88, %mul3A_100 : vector<256x13x64xf32>
    %mul3A_102 = vector.broadcast %broadcast_in_dim3A_79 : vector<1x1x64xf32> to vector<256x13x64xf32>
    %mul3A_103 = arith.mulf %mul3A_101, %mul3A_102 : vector<256x13x64xf32>
    %add3A_104 = vector.broadcast %broadcast_in_dim3A_80 : vector<1x1x64xf32> to vector<256x13x64xf32>
    %add3A_105 = arith.addf %mul3A_103, %add3A_104 : vector<256x13x64xf32>
    %concatenate3A = tpu.concatenate %reshape3A, %add3A_105 in 1 : vector<256x26x64xf32>, vector<256x13x64xf32> -> vector<256x39x64xf32>
    %broadcast_in_dim3A_106 = arith.constant 0.000000e+00 : f32
    %broadcast_in_dim3A_107 = vector.broadcast %broadcast_in_dim3A_106 : f32 to vector<256x39x64xf32>
    %concatenate3A_108 = tpu.concatenate %concatenate3A, %broadcast_in_dim3A_107 in 2 : vector<256x39x64xf32>, vector<256x39x64xf32> -> vector<256x39x128xf32>
    %get3A_109 = arith.constant 0 : index
    %get3A_110 = arith.constant 39 : index
    %get3A_111 = arith.constant 0 : index
    %get3A_112 = vector.load %arg1[%get3A_109, %get3A_110, %get3A_111] : memref<256x40x128xf32, #tpu.memory_space<vmem>>, vector<256x1x128xf32>
    %concatenate3A_113 = tpu.concatenate %concatenate3A_108, %get3A_112 in 1 : vector<256x39x128xf32>, vector<256x1x128xf32> -> vector<256x40x128xf32>
    %swap3A = arith.constant 0 : index
    %swap3A_114 = arith.constant 0 : index
    %swap3A_115 = arith.constant 0 : index
    %swap3A_116 = vector.load %arg10[%swap3A, %swap3A_114, %swap3A_115] : memref<256x40x128xf32, #tpu.memory_space<vmem>>, vector<256x40x128xf32>
    tpu.vector_store %arg10[%swap3A, %swap3A_114, %swap3A_115], %concatenate3A_113 {strides = array<i32>} : memref<256x40x128xf32, #tpu.memory_space<vmem>>, vector<256x40x128xf32>,
    return
  }
  func.func @transform_0(%arg0: i32) -> (i32, i32, i32) {
    %c0_i32 = arith.constant 0 : i32
    %c0_i32_0 = arith.constant 0 : i32
    %c0_i32_1 = arith.constant 0 : i32
    return %arg0, %c0_i32, %c0_i32_0 : i32, i32, i32
  }
  func.func @transform_1(%arg0: i32) -> (i32, i32) {
    %c0_i32 = arith.constant 0 : i32
    %c0_i32_0 = arith.constant 0 : i32
    return %arg0, %c0_i32 : i32, i32
  }
  func.func @transform_2(%arg0: i32) -> (i32, i32) {
    %c0_i32 = arith.constant 0 : i32
    %c0_i32_0 = arith.constant 0 : i32
    return %arg0, %c0_i32 : i32, i32
  }
  func.func @transform_3(%arg0: i32) -> (i32, i32) {
    %c0_i32 = arith.constant 0 : i32
    %c0_i32_0 = arith.constant 0 : i32
    %c0_i32_1 = arith.constant 0 : i32
    return %c0_i32, %c0_i32_0 : i32, i32
  }
  func.func @transform_4(%arg0: i32) -> (i32, i32) {
    %c0_i32 = arith.constant 0 : i32
    %c0_i32_0 = arith.constant 0 : i32
    %c0_i32_1 = arith.constant 0 : i32
    return %c0_i32, %c0_i32_0 : i32, i32
  }
  func.func @transform_5(%arg0: i32) -> (i32, i32) {
    %c0_i32 = arith.constant 0 : i32
    %c0_i32_0 = arith.constant 0 : i32
    %c0_i32_1 = arith.constant 0 : i32
    return %c0_i32, %c0_i32_0 : i32, i32
  }
  func.func @transform_6(%arg0: i32) -> (i32, i32) {
    %c0_i32 = arith.constant 0 : i32
    %c0_i32_0 = arith.constant 0 : i32
    %c0_i32_1 = arith.constant 0 : i32
    return %c0_i32, %c0_i32_0 : i32, i32
  }
  func.func @transform_7(%arg0: i32) -> (i32, i32) {
    %c0_i32 = arith.constant 0 : i32
    %c0_i32_0 = arith.constant 0 : i32
    %c0_i32_1 = arith.constant 0 : i32
    return %c0_i32, %c0_i32_0 : i32, i32
  }
  func.func @transform_8(%arg0: i32) -> (i32, i32) {
    %c0_i32 = arith.constant 0 : i32
    %c0_i32_0 = arith.constant 0 : i32
    %c0_i32_1 = arith.constant 0 : i32
    return %c0_i32, %c0_i32_0 : i32, i32
  }
  func.func @transform_9(%arg0: i32) -> (i32, i32, i32) {
    %c0_i32 = arith.constant 0 : i32
    %c0_i32_0 = arith.constant 0 : i32
    %c0_i32_1 = arith.constant 0 : i32
    return %arg0, %c0_i32, %c0_i32_0 : i32, i32, i32
  }
}

</mosaic_0001>

<sc_bundles>
// kernel: kernel.4.cloned.1.call-start
scs
__scs_entry_jumppad:
0x0: {  	(pc) =	sbr.rel $0x88, $3  }
0x1: {  	(tag) =	ssettag $0x0;
	lr =	simm.s32 $0x1  }
0x2: {  	[smem:$0x3F94] =	sst lr;
	_ =	strace $0xD0000000  }
0x3: {  	_ = 	snop  }
0x4: {  	_ = 	snop  }
0x5: {  	_ = 	snop  }
0x6: {  	_ = 	snop  }
0x7: {  	_ = 	snop  }
__scs_overlays_trampoline_lowered:
0x8: {  	[smem:$0x3FA3] =	sst s0  }
0x9: {  	[smem:$0x3FA4] =	sst s1  }
0xa: {  	[smem:$0x3FA5] =	sst s2  }
0xb: {  	[smem:$0x3FA6] =	sst s3  }
0xc: {  	[smem:$0x3FA7] =	sst s4  }
0xd: {  	[smem:$0x3FA8] =	sst s5  }
0xe: {  	[smem:$0x3FA9] =	sst s6  }
0xf: {  	[smem:$0x3FAA] =	sst s7  }
0x10: {  	[smem:$0x3FAB] =	sst s8  }
0x11: {  	[smem:$0x3FAC] =	sst s9;
	s0 =	simm.s32 @!p0 $0x0  }
0x12: {  	s1 =	sld [smem:$0x3F92];
	s0 =	simm.s32 @p0 $0x1  }
0x13: {  	[smem:$0x3FAD] =	sst s0;
	s0 =	simm.s32 @!p1 $0x0  }
0x14: {  	s2 =	sld [smem:$0x3F91];
	s0 =	simm.s32 @p1 $0x1  }
0x15: {  	[smem:$0x3FAE] =	sst s0;
	s0 =	simm.s32 @!p2 $0x0  }
0x16: {  	s3 =	sld [smem:$0x3FDB];
	s0 =	simm.s32 @p2 $0x1  }
0x17: {  	s4 =	simm.s32 $0x1BF5;
	[smem:$0x3FB0] =	sst s0  }
0x18: {  	s0 =	sld [smem:$0x3F93];
	_ =	swait.ge [sflag:s4], $0x0  }
0x19: {  	s7 =	sld [smem:$0x3F94]  }
0x1a: {  	s8 =	sadd.s32 $0xFFFFE003, lr  }
0x1b: {  	s9 =	sadd.s32 $0xFFFFFEF7, lr;
	s5 =	simm.s32 $0xFFFFFFFF;
	p2 =	slt.u32 s8, $0xFFFFF086  }
0x1c: {  	p1 =	slt.u32 s9, $0xF7A;
	s5 =	simm.s32 @!p2 $0x0  }
0x1d: {  	s5 =	simm.s32 @p1 $0x1;
	p0 =	seq.s32 s7, s2  }
0x1e: {  	s7 =	smul.u32 @!p0 $0xF7A, s2;
	p2 =	seq.s32 @!p0 s5, $0x0  }
0x1f: {  	s9 =	smul.u32 $0xF7A, s1;
	s8 =	simm.s32 @!p0 $0x1BF5;
	p2 =	por !p2, p0  }
0x20: {  	[sflag:s8] =	ssyncset.s32 @!p0 $0xFFFFF086;
	s6 =	sadd.s32 @!p0 s3, s7;
	s7 =	simm.s32 @!p0 $0x108  }
0x21: {  	s3 =	sadd.s32 s3, s9;
	s6 =	sadd.s32 @!p0 $0x88, s6;
	s7 =	simm.s32 @p2 $0x1082  }
0x22: {  	[simem:s7], [sflag:s8] =	dma.local @!p0 [hbm:s6], $0xF7A  }
0x23: {  	s9 =	sor.u32 $0xD0000000, s2;
	s6 =	simm.s32 $0x108;
	_ =	swait.ge @!p0 [sflag:s8], $0x0  }
0x24: {  	s3 =	sadd.s32 $0x88, s3;
	s6 =	simm.s32 @!p1 $0x1082;
	[sflag:s4] =	ssyncset.s32 $0xFFFFF086  }
0x25: {  	[simem:s6], [sflag:s4] =	dma.local [hbm:s3], $0xF7A  }
0x26: {  	[smem:$0x3F94] =	sst s1;
	(tag) =	ssettag s2;
	_ =	strace s9  }
0x27: {  	s1 =	sld [smem:$0x3FA4]  }
0x28: {  	s2 =	sld [smem:$0x3FA5]  }
0x29: {  	s4 =	sld [smem:$0x3FA7]  }
0x2a: {  	p0 =	seq.s32 s5, $0x0;
	s5 =	sld [smem:$0x3FA8]  }
0x2b: {  	s6 =	sld [smem:$0x3FA9]  }
0x2c: {  	s7 =	sld [smem:$0x3FAA]  }
0x2d: {  	s3 =	simm.s32 $0x108;
	s8 =	sld [smem:$0x3FAB]  }
0x2e: {  	s3 =	simm.s32 @!p0 $0x1082;
	s9 =	sld [smem:$0x3FAC]  }
0x2f: {  	lr =	sadd.s32 s0, s3;
	s0 =	sld [smem:$0x3FA3]  }
0x30: {  	s3 =	sld [smem:$0x3FA6]  }
0x31: {  	[smem:$0x3FAF] =	sst s10  }
0x32: {  	s10 =	sld [smem:$0x3FAD];
	_ =	sdelay $0x3  }
0x33: {  	p0 =	seq.s32 s10, $0x1;
	s10 =	sld [smem:$0x3FAF];
	_ =	sdelay $0x3  }
0x34: {  	[smem:$0x3FAF] =	sst s10  }
0x35: {  	s10 =	sld [smem:$0x3FAE];
	_ =	sdelay $0x3  }
0x36: {  	p1 =	seq.s32 s10, $0x1;
	s10 =	sld [smem:$0x3FAF];
	_ =	sdelay $0x3  }
0x37: {  	[smem:$0x3FAF] =	sst s10  }
0x38: {  	s10 =	sld [smem:$0x3FB0]  }
0x39: {  	_ = 	snop;
	(pc) =	sbr.ind lr, $3  }
0x3a: {  	_ = 	snop  }
0x3b: {  	_ = 	snop  }
0x3c: {  	p2 =	seq.s32 s10, $0x1;
	s10 =	sld [smem:$0x3FAF]  }
0x3d: {  	_ =	shalt  }
0x3e: {  	_ =	shalt  }
0x3f: {  	_ =	shalt  }
0x40: {  	_ =	shalt  }
0x41: {  	_ =	shalt  }
0x42: {  	_ =	shalt  }
0x43: {  	_ =	shalt  }
0x44: {  	_ =	shalt  }
0x45: {  	_ =	shalt  }
0x46: {  	_ =	shalt  }
0x47: {  	_ =	shalt  }
0x48: {  	_ =	shalt  }
0x49: {  	_ =	shalt  }
0x4a: {  	_ =	shalt  }
0x4b: {  	_ =	shalt  }
0x4c: {  	_ =	shalt  }
0x4d: {  	_ =	shalt  }
0x4e: {  	_ =	shalt  }
0x4f: {  	_ =	shalt  }
0x50: {  	_ =	shalt  }
0x51: {  	_ =	shalt  }
0x52: {  	_ =	shalt  }
0x53: {  	_ =	shalt  }
0x54: {  	_ =	shalt  }
0x55: {  	_ =	shalt  }
0x56: {  	_ =	shalt  }
0x57: {  	_ =	shalt  }
0x58: {  	_ =	shalt  }
0x59: {  	_ =	shalt  }
0x5a: {  	_ =	shalt  }
0x5b: {  	_ =	shalt  }
0x5c: {  	_ =	shalt  }
0x5d: {  	_ =	shalt  }
0x5e: {  	_ =	shalt  }
0x5f: {  	_ =	shalt  }
0x60: {  	_ =	shalt  }
0x61: {  	_ =	shalt  }
0x62: {  	_ =	shalt  }
0x63: {  	_ =	shalt  }
0x64: {  	_ =	shalt  }
0x65: {  	_ =	shalt  }
0x66: {  	_ =	shalt  }
0x67: {  	_ =	shalt  }
0x68: {  	_ =	shalt  }
0x69: {  	_ =	shalt  }
0x6a: {  	_ =	shalt  }
0x6b: {  	_ =	shalt  }
0x6c: {  	_ =	shalt  }
0x6d: {  	_ =	shalt  }
0x6e: {  	_ =	shalt  }
0x6f: {  	_ =	shalt  }
0x70: {  	_ =	shalt  }
0x71: {  	_ =	shalt  }
0x72: {  	_ =	shalt  }
0x73: {  	_ =	shalt  }
0x74: {  	_ =	shalt  }
0x75: {  	_ =	shalt  }
0x76: {  	_ =	shalt  }
0x77: {  	_ =	shalt  }
0x78: {  	_ =	shalt  }
0x79: {  	_ =	shalt  }
0x7a: {  	_ =	shalt  }
0x7b: {  	_ =	shalt  }
0x7c: {  	_ =	shalt  }
0x7d: {  	_ =	shalt  }
0x7e: {  	_ =	shalt  }
0x7f: {  	_ =	shalt  }
0x80: {  	_ =	shalt  }
0x81: {  	_ =	shalt  }
0x82: {  	_ =	shalt  }
0x83: {  	_ =	shalt  }
0x84: {  	_ =	shalt  }
0x85: {  	_ =	shalt  }
0x86: {  	_ =	shalt  }
0x87: {  	_ =	shalt  }
.Lfunc_end0:
.L_simem_size_0:
called_computation.1_lowered:
.L_overlay_start_0:
0x88: {  	s2 =	sld [smem:$0x3FD9]  }
0x89: {  	s3 =	sld [smem:$0x3FFE];
	_ =	sdelay $0x1  }
0x8a: {  	s1 =	srdreg.scid  }
0x8b: {  	s0 =	sand.u32 $0x1, s1  }
0x8c: {  	s17 =	sshll.u32 s0, $0xA;
	s2 =	sadd.s32 s3, s2  }
0x8d: {  	s2 =	sadd.s32 s2, s17  }
0x8e: {  	[smem:$0x3FBB] =	sst s2  }
0x8f: {  	_ = 	snop  }
0x90: {  	s2 =	sld [smem:$0x3FD0];
	(tm) =	ssettm $0x1  }
0x91: {  	s18 =	sld [smem:$0x3FFB];
	_ =	sdelay $0x3  }
0x92: {  	_ =	strace s18  }
0x93: {  	s3 =	sld [smem:$0x3FFC];
	_ =	sdelay $0x3  }
0x94: {  	_ =	strace s3  }
0x95: {  	s3 =	sld [smem:$0x3FFD];
	_ =	sdelay $0x3  }
0x96: {  	_ =	strace s3  }
0x97: {  	_ =	strace $0x8FFFFFFF  }
0x98: {  	s19 =	sld [smem:$0x3FDB];
	_ =	sdelay $0x1  }
0x99: {  	s4 =	simm.s32 $_scs_section_size  }
0x9a: {  	s5 =	simm.s32 $_size__tile_overlayer_lowered;
	s6 =	simm.s32 $_tile_overlayer_lowered  }
0x9b: {  	s22 =	simm.s32 $0x1BFF;
	s21 =	sshll.u32 s6, $0x1;
	s3 =	sadd.s32 s4, s19  }
0x9c: {  	s7 =	simm.s32 $0x0;
	s20 =	sshll.u32 s5, $0x1;
	s5 =	sadd.s32 s21, s3  }
0x9d: {  	[timem:s7], [sflag:s22] =	dma.local [hbm:s5], s20  }
0x9e: {  	_ =	swait.ge [sflag:s22], s20  }
0x9f: {  	s4 =	ssub.s32 $0x0, s20;
	[sflag:s22] =	ssyncset.done $0x0  }
0xa0: {  	[sflag:s22] =	ssyncadd.s32 s4;
	_ =	sdelay $0x1  }
0xa1: {  	s23 =	simm.s32 $0x1B8B  }
0xa2: {  	_ =	swait.ge [sflag:s23], $0x1  }
0xa3: {  	[sflag:s23] =	ssyncset.done $0x0  }
0xa4: {  	s25 =	simm.s32 $0x1B8E;
	s24 =	sld [smem:$0x3FFE];
	[sflag:s23] =	ssyncadd.s32 $0xFFFFFFFF  }
0xa5: {  	s26 =	simm.s32 $execute0_lowered;
	[smem:$0x3FD2] =	sst s25  }
0xa6: {  	s5 =	sshll.u32 s26, $0x1;
	_ =	strace $0x80000046;
	[dreg:$0x1] =	wrdreg $0xFFFFFFFF  }
0xa7: {  	s28 =	simm.s32 $_size_execute0_lowered;
	s3 =	sadd.s32 s3, s5;
	[dreg:$0x0] =	wrdreg $0x0  }
0xa8: {  	s5 =	sshll.u32 s28, $0x1;
	[dreg:$0x2] =	wrdreg s3  }
0xa9: {  	[dreg:$0x3] =	wrdreg s5  }
0xaa: {  	[dreg:$0x4] =	wrdreg $0xC0  }
0xab: {  	_ =	task [dreg:s7], $0x5FFFF  }
0xac: {  	[dreg:$0x1] =	wrdreg $0xFFFFFFFF  }
0xad: {  	[dreg:$0x0] =	wrdreg $0x60  }
0xae: {  	[dreg:$0x2] =	wrdreg s24  }
0xaf: {  	[dreg:$0x3] =	wrdreg s2  }
0xb0: {  	[dreg:$0x4] =	wrdreg $0x9  }
0xb1: {  	_ =	task.clear_ibuf [dreg:s7], $0x5FFFF;
	_ =	strace $0x90000046  }
0xb2: {  	s29 =	simm.s32 $0x9;
	_ =	strace $0x80000048  }
0xb3: {  	_ =	swait.ge [sflag:s29], $0x1  }
0xb4: {  	[sflag:s29] =	ssyncadd.s32 $0xFFFFFFFF  }
0xb5: {  	_ =	strace $0x90000048  }
0xb6: {  	_ =	sfence  }
0xb7: {  	s30 =	sld [smem:$0x0];
	_ =	sdelay $0x2  }
0xb8: {  	s31 =	sshll.u32 s1, $0xD;
	s1 =	sshrl.u32 s1, $0x2  }
0xb9: {  	s3 =	sand.u32 $0x4000, s31;
	s1 =	sadd.s32 s1, s30  }
0xba: {  	s0 =	sor.u32 s3, s0;
	s1 =	sshll.u32 s1, $0x11  }
0xbb: {  	s0 =	sor.u32 s1, s0  }
0xbc: {  	s0 =	sadd.s32 $0x8F2B, s0  }
0xbd: {  	[sflag:s0] =	ssyncadd.remote.s32 $0x1  }
0xbe: {  	_ =	sfence.sel $0xFFFF  }
0xbf: {  	[dreg:$0x0] =	wrdreg $0xFFFFFFFF;
	(pc) =	sbr.abs _section_cstart, $3  }
0xc0: {  	[dreg:$0x1] =	wrdreg $0xFFFFFFFF  }
0xc1: {  	_ =	task.clear_ibuf [dreg:s7], $0x2FFFF;
	_ =	strace $0x9FFFFFFF  }
0xc2: {  	(tm) =	ssettm $0x7FFFFFFF  }
0xc3: {  	_ =	shalt  }
tec
execute0_lowered:
.L_overlay_start_1:
0x0: {  	(tag) =	ssettag $0x1  }
0x1: {  	s0 =	srdreg.scid;
	s13 =	stileid.u32  }
0x2: {  	s0 =	sand.u32 $0x1, s0;
	s3 =	sshll.u32 s13, $0x1;
	s20 =	smul.u32 $0xDC0000, s13  }
0x3: {  	s6 =	sor.u32 s0, s3;
	s9 =	ssub.s32 $0x2, s0;
	s0 =	smul.u32 $0x6E0000, s0  }
0x4: {  	s4 =	smul.u32 $0x1A0, s6  }
0x5: {  	s1 =	rddreg [dreg:$0x0];
	s5 =	smul.u32 $0xC80, s6  }
0x6: {  	s2 =	rddreg [dreg:$0x1];
	s3 =	simm.s32 $0x0;
	s10 =	smul.u32 $0x34000, s6  }
0x7: {  	s11 =	sadd.s32 $0x12DA00, s1;
	[smem:$0x7FF] =	sst s3;
	s19 =	smul.u32 $0x6800, s6  }
0x8: {  	s12 =	sshrl.u32 s9, $0x1;
	s6 =	smul.u32 $0x6E0000, s6;
	_ =	strace $0x80000047  }
0x9: {  	s9 =	ssub.s32 s9, s12;
	s0 =	sadd.s32 s0, s20;
	s7 =	sadd.s32 s4, s1  }
0xa: {  	s4 =	sadd.s32 $0x37600, s1;
	s8 =	sadd.s32 s5, s1;
	s5 =	sadd.s32 $0x6A400, s1  }
0xb: {  	s1 =	sadd.s32 $0x1FDA00, s1;
	s10 =	sshrl.u32 s10, $0x3;
	s12 =	sadd.s32 s11, s19  }
0xc: {  	s6 =	sshrl.u32 s6, $0x3;
	s7 =	sadd.s32 $0x2200, s7;
	[dreg:$0x4] =	wrdreg s12  }
0xd: {  	s29 =	sor.u32 $0x7780, s0;
	s6 =	sadd.s32 s1, s6;
	[dreg:$0x3] =	wrdreg s7  }
0xe: {  	s7 =	sadd.s32 s11, s10;
	s10 =	sshrl.u32 s29, $0x3;
	s29 =	sadd.s32 $0xDB370, s6  }
0xf: {  	s21 =	sadd.s32 $0xD00, s7;
	[dreg:$0x18] =	wrdreg s29  }
0x10: {  	s22 =	sadd.s32 $0x1380, s7;
	[dreg:$0x5] =	wrdreg s21  }
0x11: {  	s13 =	sor.u32 $0x15380, s0;
	s23 =	sadd.s32 $0x1A00, s7;
	[dreg:$0x6] =	wrdreg s22  }
0x12: {  	s11 =	sor.u32 $0x1380, s0;
	s24 =	sadd.s32 $0x2080, s7;
	[dreg:$0x7] =	wrdreg s23  }
0x13: {  	s0 =	sor.u32 $0xEF80, s0;
	s25 =	sadd.s32 $0x2700, s7;
	[dreg:$0x8] =	wrdreg s24  }
0x14: {  	s26 =	sadd.s32 $0x2D80, s7;
	s28 =	sadd.s32 $0x3400, s7;
	[dreg:$0x9] =	wrdreg s25  }
0x15: {  	s30 =	sadd.s32 $0x3A80, s7;
	s31 =	sadd.s32 $0x4100, s7;
	[dreg:$0xa] =	wrdreg s26  }
0x16: {  	s17 =	sadd.s32 s10, s1;
	s10 =	sshrl.u32 s11, $0x3;
	[dreg:$0xb] =	wrdreg s28  }
0x17: {  	s11 =	sshrl.u32 s13, $0x3;
	s0 =	sshrl.u32 s0, $0x3;
	[dreg:$0xc] =	wrdreg s30  }
0x18: {  	s14 =	sadd.s32 $0x4780, s7;
	s15 =	sadd.s32 $0x4E00, s7;
	[dreg:$0xd] =	wrdreg s31  }
0x19: {  	s16 =	sadd.s32 $0x5480, s7;
	s13 =	simm.s32 $0x2;
	[dreg:$0xe] =	wrdreg s14  }
0x1a: {  	s18 =	sadd.s32 s10, s1;
	s19 =	sadd.s32 s11, s1;
	[dreg:$0xf] =	wrdreg s15  }
0x1b: {  	s20 =	sadd.s32 s0, s1;
	[dreg:$0x10] =	wrdreg s16;
	s21 =	sadd.s32 $0x5B00, s7  }
0x1c: {  	s22 =	sadd.s32 $0x6180, s7;
	s23 =	sadd.s32 $0x5600, s8;
	[dreg:$0x11] =	wrdreg s21  }
0x1d: {  	s24 =	sadd.s32 $0x1E600, s8;
	s25 =	sadd.s32 $0xD8B70, s6;
	[dreg:$0x12] =	wrdreg s22  }
0x1e: {  	s26 =	sadd.s32 $0xD97F0, s6;
	s28 =	sadd.s32 $0xDA6F0, s6;
	[dreg:$0x13] =	wrdreg s23  }
0x1f: {  	s30 =	smax.u32 s9, $0x1;
	s31 =	sadd.s32 $0x680, s12;
	[dreg:$0x14] =	wrdreg s24  }
0x20: {  	s8 =	simm.s32 $0x13000;
	s9 =	simm.s32 $0x5;
	[dreg:$0x15] =	wrdreg s25  }
0x21: {  	s10 =	simm.s32 $0xD0;
	s11 =	simm.s32 $0x3400;
	[dreg:$0x16] =	wrdreg s26  }
0x22: {  	s12 =	simm.s32 $0x1;
	s15 =	simm.s32 $0xC8;
	[dreg:$0x17] =	wrdreg s28  }
0x23: {  	s7 =	simm.s32 $0x6800;
	s16 =	simm.s32 $0x9A00;
	[dreg:$0x19] =	wrdreg s30  }
0x24: {  	[dreg:$0x1a] =	wrdreg s31;
	s21 =	simm.s32 $0x3;
	s22 =	simm.s32 $0x40  }
0x25: {  	s23 =	simm.s32 $0x80;
	s24 =	simm.s32 $0x4;
	s25 =	simm.s32 $0x0  }
.LBB2_1:
0x26: {  	s0 =	rddreg [dreg:$0x3]  }
0x27: {  	[tilespmem:s8], [sflag:$0x5] =	stream.linear.gather [hbm4b:s0+s3], $0xD00, $0x38;
	[tilespmem:$0x19400] =	vst v63  }
0x28: {  	_ =	swait.ge [sflag:s9], $0xD00  }
0x29: {  	[sflag:s9] =	ssyncset.done $0x0  }
0x2a: {  	[sflag:s9] =	ssyncadd.s32 $0xFFFFF300  }
0x2b: {  	[tilespmem:s3], [sflag:$0x1] =	stream.indirect.gather [hbm4b:s4+s10], $0x40, s8, s10, $0xb8;
	[tilespmem:$0x19400] =	vst v63  }
0x2c: {  	s26 =	simm.s32 $0x130D0  }
0x2d: {  	[tilespmem:s11], [sflag:$0x2] =	stream.indirect.gather [hbm4b:s4+s10], $0x40, s26, s10, $0xb8;
	[tilespmem:$0x19400] =	vst v63  }
0x2e: {  	_ =	swait.ge [sflag:s12], $0x3400  }
0x2f: {  	[sflag:s12] =	ssyncset.done $0x0  }
0x30: {  	s1 =	rddreg [dreg:$0x4];
	[sflag:s12] =	ssyncadd.s32 $0xFFFFCC00  }
0x31: {  	[hbm4b:s1+s3] =	stream.linear.scatter [tilespmem:s3], [sflag:$0x5], $0x3400, $0x38;
	[tilespmem:$0x19400] =	vst v63  }
0x32: {  	_ =	swait.ge [sflag:s9], $0x3400  }
0x33: {  	[sflag:s9] =	ssyncset.done $0x0  }
0x34: {  	s6 =	simm.s32 $0x131A0;
	[sflag:s9] =	ssyncadd.s32 $0xFFFFCC00  }
0x35: {  	[tilespmem:s3], [sflag:$0x1] =	stream.indirect.gather [hbm4b:s4+s10], $0x40, s6, s10, $0xb8;
	[tilespmem:$0x19400] =	vst v63  }
0x36: {  	_ =	swait.ge [sflag:s13], $0x3400  }
0x37: {  	[sflag:s13] =	ssyncset.done $0x0  }
0x38: {  	s14 =	rddreg [dreg:$0x1a];
	[sflag:s13] =	ssyncadd.s32 $0xFFFFCC00  }
0x39: {  	[hbm4b:s14+s3] =	stream.linear.scatter [tilespmem:s11], [sflag:$0x5], $0x3400, $0x38;
	[tilespmem:$0x19400] =	vst v63  }
0x3a: {  	_ =	swait.ge [sflag:s9], $0x3400  }
0x3b: {  	[sflag:s9] =	ssyncset.done $0x0  }
0x3c: {  	s26 =	simm.s32 $0x13270;
	[sflag:s9] =	ssyncadd.s32 $0xFFFFCC00  }
0x3d: {  	[tilespmem:s11], [sflag:$0x2] =	stream.indirect.gather [hbm4b:s4+s10], $0x40, s26, s10, $0xb8;
	[tilespmem:$0x19400] =	vst v63  }
0x3e: {  	_ =	swait.ge [sflag:s12], $0x3400  }
0x3f: {  	[sflag:s12] =	ssyncset.done $0x0  }
0x40: {  	s1 =	rddreg [dreg:$0x5];
	[sflag:s12] =	ssyncadd.s32 $0xFFFFCC00  }
0x41: {  	[hbm4b:s1+s3] =	stream.linear.scatter [tilespmem:s3], [sflag:$0x5], $0x3400, $0x38;
	[tilespmem:$0x19400] =	vst v63  }
0x42: {  	_ =	swait.ge [sflag:s9], $0x3400  }
0x43: {  	[sflag:s9] =	ssyncset.done $0x0  }
0x44: {  	s6 =	simm.s32 $0x13340;
	[sflag:s9] =	ssyncadd.s32 $0xFFFFCC00  }
0x45: {  	[tilespmem:s3], [sflag:$0x1] =	stream.indirect.gather [hbm4b:s4+s10], $0x40, s6, s10, $0xb8;
	[tilespmem:$0x19400] =	vst v63  }
0x46: {  	_ =	swait.ge [sflag:s13], $0x3400  }
0x47: {  	[sflag:s13] =	ssyncset.done $0x0  }
0x48: {  	s14 =	rddreg [dreg:$0x6];
	[sflag:s13] =	ssyncadd.s32 $0xFFFFCC00  }
0x49: {  	[hbm4b:s14+s3] =	stream.linear.scatter [tilespmem:s11], [sflag:$0x5], $0x3400, $0x38;
	[tilespmem:$0x19400] =	vst v63  }
0x4a: {  	_ =	swait.ge [sflag:s9], $0x3400  }
0x4b: {  	[sflag:s9] =	ssyncset.done $0x0  }
0x4c: {  	s26 =	simm.s32 $0x13410;
	[sflag:s9] =	ssyncadd.s32 $0xFFFFCC00  }
0x4d: {  	[tilespmem:s11], [sflag:$0x2] =	stream.indirect.gather [hbm4b:s4+s10], $0x40, s26, s10, $0xb8;
	[tilespmem:$0x19400] =	vst v63  }
0x4e: {  	_ =	swait.ge [sflag:s12], $0x3400  }
0x4f: {  	[sflag:s12] =	ssyncset.done $0x0  }
0x50: {  	s1 =	rddreg [dreg:$0x7];
	[sflag:s12] =	ssyncadd.s32 $0xFFFFCC00  }
0x51: {  	[hbm4b:s1+s3] =	stream.linear.scatter [tilespmem:s3], [sflag:$0x5], $0x3400, $0x38;
	[tilespmem:$0x19400] =	vst v63  }
0x52: {  	_ =	swait.ge [sflag:s9], $0x3400  }
0x53: {  	[sflag:s9] =	ssyncset.done $0x0  }
0x54: {  	s6 =	simm.s32 $0x134E0;
	[sflag:s9] =	ssyncadd.s32 $0xFFFFCC00  }
0x55: {  	[tilespmem:s3], [sflag:$0x1] =	stream.indirect.gather [hbm4b:s4+s10], $0x40, s6, s10, $0xb8;
	[tilespmem:$0x19400] =	vst v63  }
0x56: {  	_ =	swait.ge [sflag:s13], $0x3400  }
0x57: {  	[sflag:s13] =	ssyncset.done $0x0  }
0x58: {  	s14 =	rddreg [dreg:$0x8];
	[sflag:s13] =	ssyncadd.s32 $0xFFFFCC00  }
0x59: {  	[hbm4b:s14+s3] =	stream.linear.scatter [tilespmem:s11], [sflag:$0x5], $0x3400, $0x38;
	[tilespmem:$0x19400] =	vst v63  }
0x5a: {  	_ =	swait.ge [sflag:s9], $0x3400  }
0x5b: {  	[sflag:s9] =	ssyncset.done $0x0  }
0x5c: {  	s26 =	simm.s32 $0x135B0;
	[sflag:s9] =	ssyncadd.s32 $0xFFFFCC00  }
0x5d: {  	[tilespmem:s11], [sflag:$0x2] =	stream.indirect.gather [hbm4b:s4+s10], $0x40, s26, s10, $0xb8;
	[tilespmem:$0x19400] =	vst v63  }
0x5e: {  	_ =	swait.ge [sflag:s12], $0x3400  }
0x5f: {  	[sflag:s12] =	ssyncset.done $0x0  }
0x60: {  	s1 =	rddreg [dreg:$0x9];
	[sflag:s12] =	ssyncadd.s32 $0xFFFFCC00  }
0x61: {  	[hbm4b:s1+s3] =	stream.linear.scatter [tilespmem:s3], [sflag:$0x5], $0x3400, $0x38;
	[tilespmem:$0x19400] =	vst v63  }
0x62: {  	_ =	swait.ge [sflag:s9], $0x3400  }
0x63: {  	[sflag:s9] =	ssyncset.done $0x0  }
0x64: {  	s6 =	simm.s32 $0x13680;
	[sflag:s9] =	ssyncadd.s32 $0xFFFFCC00  }
0x65: {  	[tilespmem:s3], [sflag:$0x1] =	stream.indirect.gather [hbm4b:s4+s10], $0x40, s6, s10, $0xb8;
	[tilespmem:$0x19400] =	vst v63  }
0x66: {  	_ =	swait.ge [sflag:s13], $0x3400  }
0x67: {  	[sflag:s13] =	ssyncset.done $0x0  }
0x68: {  	s14 =	rddreg [dreg:$0xa];
	[sflag:s13] =	ssyncadd.s32 $0xFFFFCC00  }
0x69: {  	[hbm4b:s14+s3] =	stream.linear.scatter [tilespmem:s11], [sflag:$0x5], $0x3400, $0x38;
	[tilespmem:$0x19400] =	vst v63  }
0x6a: {  	_ =	swait.ge [sflag:s9], $0x3400  }
0x6b: {  	[sflag:s9] =	ssyncset.done $0x0  }
0x6c: {  	s26 =	simm.s32 $0x13750;
	[sflag:s9] =	ssyncadd.s32 $0xFFFFCC00  }
0x6d: {  	[tilespmem:s11], [sflag:$0x2] =	stream.indirect.gather [hbm4b:s4+s10], $0x40, s26, s10, $0xb8;
	[tilespmem:$0x19400] =	vst v63  }
0x6e: {  	_ =	swait.ge [sflag:s12], $0x3400  }
0x6f: {  	[sflag:s12] =	ssyncset.done $0x0  }
0x70: {  	s1 =	rddreg [dreg:$0xb];
	[sflag:s12] =	ssyncadd.s32 $0xFFFFCC00  }
0x71: {  	[hbm4b:s1+s3] =	stream.linear.scatter [tilespmem:s3], [sflag:$0x5], $0x3400, $0x38;
	[tilespmem:$0x19400] =	vst v63  }
0x72: {  	_ =	swait.ge [sflag:s9], $0x3400  }
0x73: {  	[sflag:s9] =	ssyncset.done $0x0  }
0x74: {  	s6 =	simm.s32 $0x13820;
	[sflag:s9] =	ssyncadd.s32 $0xFFFFCC00  }
0x75: {  	[tilespmem:s3], [sflag:$0x1] =	stream.indirect.gather [hbm4b:s4+s10], $0x40, s6, s10, $0xb8;
	[tilespmem:$0x19400] =	vst v63  }
0x76: {  	_ =	swait.ge [sflag:s13], $0x3400  }
0x77: {  	[sflag:s13] =	ssyncset.done $0x0  }
0x78: {  	s14 =	rddreg [dreg:$0xc];
	[sflag:s13] =	ssyncadd.s32 $0xFFFFCC00  }
0x79: {  	[hbm4b:s14+s3] =	stream.linear.scatter [tilespmem:s11], [sflag:$0x5], $0x3400, $0x38;
	[tilespmem:$0x19400] =	vst v63  }
0x7a: {  	_ =	swait.ge [sflag:s9], $0x3400  }
0x7b: {  	[sflag:s9] =	ssyncset.done $0x0  }
0x7c: {  	s26 =	simm.s32 $0x138F0;
	[sflag:s9] =	ssyncadd.s32 $0xFFFFCC00  }
0x7d: {  	[tilespmem:s11], [sflag:$0x2] =	stream.indirect.gather [hbm4b:s4+s10], $0x40, s26, s10, $0xb8;
	[tilespmem:$0x19400] =	vst v63  }
0x7e: {  	_ =	swait.ge [sflag:s12], $0x3400  }
0x7f: {  	[sflag:s12] =	ssyncset.done $0x0  }
0x80: {  	s1 =	rddreg [dreg:$0xd];
	[sflag:s12] =	ssyncadd.s32 $0xFFFFCC00  }
0x81: {  	[hbm4b:s1+s3] =	stream.linear.scatter [tilespmem:s3], [sflag:$0x5], $0x3400, $0x38;
	[tilespmem:$0x19400] =	vst v63  }
0x82: {  	_ =	swait.ge [sflag:s9], $0x3400  }
0x83: {  	[sflag:s9] =	ssyncset.done $0x0  }
0x84: {  	s6 =	simm.s32 $0x139C0;
	[sflag:s9] =	ssyncadd.s32 $0xFFFFCC00  }
0x85: {  	[tilespmem:s3], [sflag:$0x1] =	stream.indirect.gather [hbm4b:s4+s10], $0x40, s6, s10, $0xb8;
	[tilespmem:$0x19400] =	vst v63  }
0x86: {  	_ =	swait.ge [sflag:s13], $0x3400  }
0x87: {  	[sflag:s13] =	ssyncset.done $0x0  }
0x88: {  	s14 =	rddreg [dreg:$0xe];
	[sflag:s13] =	ssyncadd.s32 $0xFFFFCC00  }
0x89: {  	[hbm4b:s14+s3] =	stream.linear.scatter [tilespmem:s11], [sflag:$0x5], $0x3400, $0x38;
	[tilespmem:$0x19400] =	vst v63  }
0x8a: {  	_ =	swait.ge [sflag:s9], $0x3400  }
0x8b: {  	[sflag:s9] =	ssyncset.done $0x0  }
0x8c: {  	s26 =	simm.s32 $0x13A90;
	[sflag:s9] =	ssyncadd.s32 $0xFFFFCC00  }
0x8d: {  	[tilespmem:s11], [sflag:$0x2] =	stream.indirect.gather [hbm4b:s4+s10], $0x40, s26, s10, $0xb8;
	[tilespmem:$0x19400] =	vst v63  }
0x8e: {  	_ =	swait.ge [sflag:s12], $0x3400  }
0x8f: {  	[sflag:s12] =	ssyncset.done $0x0  }
0x90: {  	s1 =	rddreg [dreg:$0xf];
	[sflag:s12] =	ssyncadd.s32 $0xFFFFCC00  }
0x91: {  	[hbm4b:s1+s3] =	stream.linear.scatter [tilespmem:s3], [sflag:$0x5], $0x3400, $0x38;
	[tilespmem:$0x19400] =	vst v63  }
0x92: {  	_ =	swait.ge [sflag:s9], $0x3400  }
0x93: {  	[sflag:s9] =	ssyncset.done $0x0  }
0x94: {  	s6 =	simm.s32 $0x13B60;
	[sflag:s9] =	ssyncadd.s32 $0xFFFFCC00  }
0x95: {  	[tilespmem:s3], [sflag:$0x1] =	stream.indirect.gather [hbm4b:s4+s10], $0x40, s6, s10, $0xb8;
	[tilespmem:$0x19400] =	vst v63  }
0x96: {  	_ =	swait.ge [sflag:s13], $0x3400  }
0x97: {  	[sflag:s13] =	ssyncset.done $0x0  }
0x98: {  	s14 =	rddreg [dreg:$0x10];
	[sflag:s13] =	ssyncadd.s32 $0xFFFFCC00  }
0x99: {  	[hbm4b:s14+s3] =	stream.linear.scatter [tilespmem:s11], [sflag:$0x5], $0x3400, $0x38;
	[tilespmem:$0x19400] =	vst v63  }
0x9a: {  	_ =	swait.ge [sflag:s9], $0x3400  }
0x9b: {  	[sflag:s9] =	ssyncset.done $0x0  }
0x9c: {  	s26 =	simm.s32 $0x13C30;
	[sflag:s9] =	ssyncadd.s32 $0xFFFFCC00  }
0x9d: {  	[tilespmem:s11], [sflag:$0x2] =	stream.indirect.gather [hbm4b:s4+s10], $0x40, s26, s10, $0xb8;
	[tilespmem:$0x19400] =	vst v63  }
0x9e: {  	_ =	swait.ge [sflag:s12], $0x3400  }
0x9f: {  	[sflag:s12] =	ssyncset.done $0x0  }
0xa0: {  	s1 =	rddreg [dreg:$0x11];
	[sflag:s12] =	ssyncadd.s32 $0xFFFFCC00  }
0xa1: {  	[hbm4b:s1+s3] =	stream.linear.scatter [tilespmem:s3], [sflag:$0x5], $0x3400, $0x38;
	[tilespmem:$0x19400] =	vst v63  }
0xa2: {  	_ =	swait.ge [sflag:s9], $0x3400  }
0xa3: {  	[sflag:s9] =	ssyncset.done $0x0  }
0xa4: {  	[sflag:s9] =	ssyncadd.s32 $0xFFFFCC00  }
0xa5: {  	_ =	swait.ge [sflag:s13], $0x3400  }
0xa6: {  	[sflag:s13] =	ssyncset.done $0x0  }
0xa7: {  	s6 =	rddreg [dreg:$0x12];
	[sflag:s13] =	ssyncadd.s32 $0xFFFFCC00  }
0xa8: {  	[hbm4b:s6+s3] =	stream.linear.scatter [tilespmem:s11], [sflag:$0x5], $0x3400, $0x38;
	[tilespmem:$0x19400] =	vst v63  }
0xa9: {  	_ =	swait.ge [sflag:s9], $0x3400  }
0xaa: {  	[sflag:s9] =	ssyncset.done $0x0  }
0xab: {  	s1 =	simm.s32 $0xCC00;
	s14 =	rddreg [dreg:$0x13];
	[sflag:s9] =	ssyncadd.s32 $0xFFFFCC00  }
0xac: {  	[tilespmem:s1], [sflag:$0x5] =	stream.linear.gather [hbm4b:s14+s3], $0x6400, $0x38;
	[tilespmem:$0x19400] =	vst v63  }
0xad: {  	_ =	swait.ge [sflag:s9], $0x6400  }
0xae: {  	[sflag:s9] =	ssyncset.done $0x0  }
0xaf: {  	s26 =	rddreg [dreg:$0x14];
	[sflag:s9] =	ssyncadd.s32 $0xFFFF9C00  }
0xb0: {  	[tilespmem:s8], [sflag:$0x5] =	stream.linear.gather [hbm4b:s26+s3], $0x6400, $0x38;
	[tilespmem:$0x19400] =	vst v63  }
0xb1: {  	_ =	swait.ge [sflag:s9], $0x6400  }
0xb2: {  	[sflag:s9] =	ssyncset.done $0x0  }
0xb3: {  	[sflag:s9] =	ssyncadd.s32 $0xFFFF9C00  }
0xb4: {  	[tilespmem:s3], [sflag:$0x1] =	stream.indirect.gather [hbm4b:s2+s15], $0x40, s1, s15, $0xb8;
	[tilespmem:$0x19400] =	vst v63  }
0xb5: {  	_ = 	snop  }
0xb6: {  	[tilespmem:s7], [sflag:$0x3] =	stream.indirect.gather [hbm4b:s5+s15], $0x40, s8, s15, $0xb8;
	[tilespmem:$0x19400] =	vst v63  }
0xb7: {  	s1 =	simm.s32 $0xCCC8  }
0xb8: {  	[tilespmem:s11], [sflag:$0x2] =	stream.indirect.gather [hbm4b:s2+s15], $0x40, s1, s15, $0xb8;
	[tilespmem:$0x19400] =	vst v63  }
0xb9: {  	s6 =	simm.s32 $0x130C8  }
0xba: {  	[tilespmem:s16], [sflag:$0x4] =	stream.indirect.gather [hbm4b:s5+s15], $0x40, s6, s15, $0xb8;
	[tilespmem:$0x19400] =	vst v63  }
0xbb: {  	_ =	swait.ge [sflag:s12], $0x3200  }
0xbc: {  	[sflag:s12] =	ssyncset.done $0x0  }
0xbd: {  	[sflag:s12] =	ssyncadd.s32 $0xFFFFCE00  }
0xbe: {  	_ =	swait.ge [sflag:s21], $0x3200  }
0xbf: {  	[sflag:s21] =	ssyncset.done $0x0  }
0xc0: {  	[sflag:s21] =	ssyncadd.s32 $0xFFFFCE00  }
0xc1: {  	[hbm4b:s18+s22] =	stream.strided.scatter [tilespmem:s3], [sflag:$0x5], $0x3200, s23, s22, $0x38;
	[tilespmem:$0x19400] =	vst v63  }
0xc2: {  	_ =	swait.ge [sflag:s9], $0x3200  }
0xc3: {  	[sflag:s9] =	ssyncset.done $0x0  }
0xc4: {  	[sflag:s9] =	ssyncadd.s32 $0xFFFFCE00  }
0xc5: {  	[hbm4b:s17+s22] =	stream.strided.scatter [tilespmem:s7], [sflag:$0x5], $0x3200, s23, s22, $0x38;
	[tilespmem:$0x19400] =	vst v63  }
0xc6: {  	_ =	swait.ge [sflag:s9], $0x3200  }
0xc7: {  	[sflag:s9] =	ssyncset.done $0x0  }
0xc8: {  	s14 =	simm.s32 $0xCD90;
	[sflag:s9] =	ssyncadd.s32 $0xFFFFCE00  }
0xc9: {  	[tilespmem:s3], [sflag:$0x1] =	stream.indirect.gather [hbm4b:s2+s15], $0x40, s14, s15, $0xb8;
	[tilespmem:$0x19400] =	vst v63  }
0xca: {  	s26 =	simm.s32 $0x13190  }
0xcb: {  	[tilespmem:s7], [sflag:$0x3] =	stream.indirect.gather [hbm4b:s5+s15], $0x40, s26, s15, $0xb8;
	[tilespmem:$0x19400] =	vst v63  }
0xcc: {  	_ =	swait.ge [sflag:s13], $0x3200  }
0xcd: {  	[sflag:s13] =	ssyncset.done $0x0  }
0xce: {  	[sflag:s13] =	ssyncadd.s32 $0xFFFFCE00  }
0xcf: {  	_ =	swait.ge [sflag:s24], $0x3200  }
0xd0: {  	[sflag:s24] =	ssyncset.done $0x0  }
0xd1: {  	[sflag:s24] =	ssyncadd.s32 $0xFFFFCE00  }
0xd2: {  	[hbm4b:s20+s22] =	stream.strided.scatter [tilespmem:s11], [sflag:$0x5], $0x3200, s23, s22, $0x38;
	[tilespmem:$0x19400] =	vst v63  }
0xd3: {  	_ =	swait.ge [sflag:s9], $0x3200  }
0xd4: {  	[sflag:s9] =	ssyncset.done $0x0  }
0xd5: {  	s29 =	sadd.s32 $0x3700, s18;
	s28 =	sadd.s32 $0x3700, s19;
	[sflag:s9] =	ssyncadd.s32 $0xFFFFCE00  }
0xd6: {  	[hbm4b:s19+s22] =	stream.strided.scatter [tilespmem:s16], [sflag:$0x5], $0x3200, s23, s22, $0x38;
	[tilespmem:$0x19400] =	vst v63  }
0xd7: {  	s31 =	simm.s32 $0x190;
	s30 =	sadd.s32 $0x3700, s17;
	_ =	swait.ge [sflag:s9], $0x3200  }
0xd8: {  	s1 =	simm.s32 $0xC80;
	s26 =	sadd.s32 $0x3700, s20;
	[sflag:s9] =	ssyncset.done $0x0  }
.LBB2_2:
0xd9: {  	s14 =	sadd.s32 $0xCCC8, s31  }
0xda: {  	[sflag:s9] =	ssyncadd.s32 $0xFFFFCE00;
	s0 =	smov.u32 s1;
	s6 =	sadd.s32 $0x640, s1  }
0xdb: {  	[tilespmem:s11], [sflag:$0x2] =	stream.indirect.gather [hbm4b:s2+s15], $0x40, s14, s15, $0xb8;
	[tilespmem:$0x19400] =	vst v63  }
0xdc: {  	p0 =	sne.s32 s1, $0x18380;
	s1 =	sadd.s32 $0x130C8, s31  }
0xdd: {  	[tilespmem:s16], [sflag:$0x4] =	stream.indirect.gather [hbm4b:s5+s15], $0x40, s1, s15, $0xb8;
	[tilespmem:$0x19400] =	vst v63  }
0xde: {  	_ =	swait.ge [sflag:s12], $0x3200  }
0xdf: {  	[sflag:s12] =	ssyncset.done $0x0  }
0xe0: {  	[sflag:s12] =	ssyncadd.s32 $0xFFFFCE00  }
0xe1: {  	_ =	swait.ge [sflag:s21], $0x3200  }
0xe2: {  	[sflag:s21] =	ssyncset.done $0x0  }
0xe3: {  	[sflag:s21] =	ssyncadd.s32 $0xFFFFCE00  }
0xe4: {  	[hbm4b:s29+s22] =	stream.strided.scatter [tilespmem:s3], [sflag:$0x5], $0x3200, s23, s22, $0x38;
	[tilespmem:$0x19400] =	vst v63  }
0xe5: {  	_ =	swait.ge [sflag:s9], $0x3200  }
0xe6: {  	[sflag:s9] =	ssyncset.done $0x0  }
0xe7: {  	[sflag:s9] =	ssyncadd.s32 $0xFFFFCE00  }
0xe8: {  	[hbm4b:s30+s22] =	stream.strided.scatter [tilespmem:s7], [sflag:$0x5], $0x3200, s23, s22, $0x38;
	[tilespmem:$0x19400] =	vst v63  }
0xe9: {  	_ =	swait.ge [sflag:s9], $0x3200  }
0xea: {  	[sflag:s9] =	ssyncset.done $0x0  }
0xeb: {  	s1 =	sadd.s32 $0xCD90, s31;
	[sflag:s9] =	ssyncadd.s32 $0xFFFFCE00  }
0xec: {  	[tilespmem:s3], [sflag:$0x1] =	stream.indirect.gather [hbm4b:s2+s15], $0x40, s1, s15, $0xb8;
	[tilespmem:$0x19400] =	vst v63  }
0xed: {  	s1 =	sadd.s32 $0x13190, s31  }
0xee: {  	[tilespmem:s7], [sflag:$0x3] =	stream.indirect.gather [hbm4b:s5+s15], $0x40, s1, s15, $0xb8;
	[tilespmem:$0x19400] =	vst v63  }
0xef: {  	_ =	swait.ge [sflag:s13], $0x3200  }
0xf0: {  	[sflag:s13] =	ssyncset.done $0x0  }
0xf1: {  	[sflag:s13] =	ssyncadd.s32 $0xFFFFCE00  }
0xf2: {  	_ =	swait.ge [sflag:s24], $0x3200  }
0xf3: {  	[sflag:s24] =	ssyncset.done $0x0  }
0xf4: {  	[sflag:s24] =	ssyncadd.s32 $0xFFFFCE00  }
0xf5: {  	[hbm4b:s26+s22] =	stream.strided.scatter [tilespmem:s11], [sflag:$0x5], $0x3200, s23, s22, $0x38;
	[tilespmem:$0x19400] =	vst v63  }
0xf6: {  	_ =	swait.ge [sflag:s9], $0x3200  }
.Ltmp0:
0xf7: {  	[sflag:s9] =	ssyncset.done $0x0;
	(pc) =	sbr.rel @p0 .LBB2_2-.Ltmp0, $4  }
0xf8: {  	s29 =	sadd.s32 $0x3700, s29;
	s26 =	sadd.s32 $0x3700, s26;
	[sflag:s9] =	ssyncadd.s32 $0xFFFFCE00  }
0xf9: {  	[hbm4b:s28+s22] =	stream.strided.scatter [tilespmem:s16], [sflag:$0x5], $0x3200, s23, s22, $0x38;
	[tilespmem:$0x19400] =	vst v63  }
0xfa: {  	s30 =	sadd.s32 $0x3700, s30;
	s28 =	sadd.s32 $0x3700, s28;
	_ =	swait.ge [sflag:s9], $0x3200  }
0xfb: {  	s31 =	sshra.s32 s0, $0x2;
	s1 =	smov.u32 s6;
	[sflag:s9] =	ssyncset.done $0x0  }
0xfc: {  	s0 =	sadd.s32 $0xCCC8, s31;
	[sflag:s9] =	ssyncadd.s32 $0xFFFFCE00  }
0xfd: {  	[tilespmem:s11], [sflag:$0x2] =	stream.indirect.gather [hbm4b:s2+s15], $0x40, s0, s15, $0xb8;
	[tilespmem:$0x19400] =	vst v63  }
0xfe: {  	s14 =	sadd.s32 $0x130C8, s31  }
0xff: {  	[tilespmem:s16], [sflag:$0x4] =	stream.indirect.gather [hbm4b:s5+s15], $0x40, s14, s15, $0xb8;
	[tilespmem:$0x19400] =	vst v63  }
0x100: {  	_ =	swait.ge [sflag:s12], $0x3200  }
0x101: {  	[sflag:s12] =	ssyncset.done $0x0  }
0x102: {  	[sflag:s12] =	ssyncadd.s32 $0xFFFFCE00  }
0x103: {  	_ =	swait.ge [sflag:s21], $0x3200  }
0x104: {  	[sflag:s21] =	ssyncset.done $0x0  }
0x105: {  	[sflag:s21] =	ssyncadd.s32 $0xFFFFCE00  }
0x106: {  	[hbm4b:s29+s22] =	stream.strided.scatter [tilespmem:s3], [sflag:$0x5], $0x3200, s23, s22, $0x38;
	[tilespmem:$0x19400] =	vst v63  }
0x107: {  	_ =	swait.ge [sflag:s9], $0x3200  }
0x108: {  	[sflag:s9] =	ssyncset.done $0x0  }
0x109: {  	[sflag:s9] =	ssyncadd.s32 $0xFFFFCE00  }
0x10a: {  	[hbm4b:s30+s22] =	stream.strided.scatter [tilespmem:s7], [sflag:$0x5], $0x3200, s23, s22, $0x38;
	[tilespmem:$0x19400] =	vst v63  }
0x10b: {  	_ =	swait.ge [sflag:s9], $0x3200  }
0x10c: {  	[sflag:s9] =	ssyncset.done $0x0  }
0x10d: {  	s30 =	sadd.s32 $0xCD90, s31;
	[sflag:s9] =	ssyncadd.s32 $0xFFFFCE00  }
0x10e: {  	[tilespmem:s3], [sflag:$0x1] =	stream.indirect.gather [hbm4b:s2+s15], $0x40, s30, s15, $0xb8;
	[tilespmem:$0x19400] =	vst v63  }
0x10f: {  	s1 =	sadd.s32 $0x13190, s31  }
0x110: {  	[tilespmem:s7], [sflag:$0x3] =	stream.indirect.gather [hbm4b:s5+s15], $0x40, s1, s15, $0xb8;
	[tilespmem:$0x19400] =	vst v63  }
0x111: {  	_ =	swait.ge [sflag:s13], $0x3200  }
0x112: {  	[sflag:s13] =	ssyncset.done $0x0  }
0x113: {  	[sflag:s13] =	ssyncadd.s32 $0xFFFFCE00  }
0x114: {  	_ =	swait.ge [sflag:s24], $0x3200  }
0x115: {  	[sflag:s24] =	ssyncset.done $0x0  }
0x116: {  	[sflag:s24] =	ssyncadd.s32 $0xFFFFCE00  }
0x117: {  	[hbm4b:s26+s22] =	stream.strided.scatter [tilespmem:s11], [sflag:$0x5], $0x3200, s23, s22, $0x38;
	[tilespmem:$0x19400] =	vst v63  }
0x118: {  	_ =	swait.ge [sflag:s9], $0x3200  }
0x119: {  	[sflag:s9] =	ssyncset.done $0x0  }
0x11a: {  	[sflag:s9] =	ssyncadd.s32 $0xFFFFCE00  }
0x11b: {  	[hbm4b:s28+s22] =	stream.strided.scatter [tilespmem:s16], [sflag:$0x5], $0x3200, s23, s22, $0x38;
	[tilespmem:$0x19400] =	vst v63  }
0x11c: {  	_ =	swait.ge [sflag:s9], $0x3200  }
0x11d: {  	[sflag:s9] =	ssyncset.done $0x0  }
0x11e: {  	s6 =	simm.s32 $0x12F38;
	[sflag:s9] =	ssyncadd.s32 $0xFFFFCE00  }
0x11f: {  	[tilespmem:s11], [sflag:$0x2] =	stream.indirect.gather [hbm4b:s2+s15], $0x40, s6, s15, $0xb8;
	[tilespmem:$0x19400] =	vst v63  }
0x120: {  	s14 =	simm.s32 $0x19338  }
0x121: {  	[tilespmem:s16], [sflag:$0x4] =	stream.indirect.gather [hbm4b:s5+s15], $0x40, s14, s15, $0xb8;
	[tilespmem:$0x19400] =	vst v63  }
0x122: {  	_ =	swait.ge [sflag:s12], $0x3200  }
0x123: {  	[sflag:s12] =	ssyncset.done $0x0  }
0x124: {  	[sflag:s12] =	ssyncadd.s32 $0xFFFFCE00  }
0x125: {  	_ =	swait.ge [sflag:s21], $0x3200  }
0x126: {  	[sflag:s21] =	ssyncset.done $0x0  }
0x127: {  	s26 =	rddreg [dreg:$0x15];
	[sflag:s21] =	ssyncadd.s32 $0xFFFFCE00  }
0x128: {  	[hbm4b:s26+s22] =	stream.strided.scatter [tilespmem:s3], [sflag:$0x5], $0x3200, s23, s22, $0x38;
	[tilespmem:$0x19400] =	vst v63  }
0x129: {  	_ =	swait.ge [sflag:s9], $0x3200  }
0x12a: {  	[sflag:s9] =	ssyncset.done $0x0  }
0x12b: {  	s28 =	rddreg [dreg:$0x16];
	[sflag:s9] =	ssyncadd.s32 $0xFFFFCE00  }
0x12c: {  	[hbm4b:s28+s22] =	stream.strided.scatter [tilespmem:s7], [sflag:$0x5], $0x3200, s23, s22, $0x38;
	[tilespmem:$0x19400] =	vst v63  }
0x12d: {  	_ =	swait.ge [sflag:s9], $0x3200  }
0x12e: {  	[sflag:s9] =	ssyncset.done $0x0  }
0x12f: {  	[sflag:s9] =	ssyncadd.s32 $0xFFFFCE00  }
0x130: {  	_ =	swait.ge [sflag:s13], $0x3200  }
0x131: {  	[sflag:s13] =	ssyncset.done $0x0  }
0x132: {  	[sflag:s13] =	ssyncadd.s32 $0xFFFFCE00  }
0x133: {  	_ =	swait.ge [sflag:s24], $0x3200  }
0x134: {  	[sflag:s24] =	ssyncset.done $0x0  }
0x135: {  	s29 =	rddreg [dreg:$0x17];
	[sflag:s24] =	ssyncadd.s32 $0xFFFFCE00  }
0x136: {  	[hbm4b:s29+s22] =	stream.strided.scatter [tilespmem:s11], [sflag:$0x5], $0x3200, s23, s22, $0x38;
	[tilespmem:$0x19400] =	vst v63  }
0x137: {  	_ =	swait.ge [sflag:s9], $0x3200  }
0x138: {  	[sflag:s9] =	ssyncset.done $0x0  }
0x139: {  	s30 =	rddreg [dreg:$0x18];
	[sflag:s9] =	ssyncadd.s32 $0xFFFFCE00  }
0x13a: {  	[hbm4b:s30+s22] =	stream.strided.scatter [tilespmem:s16], [sflag:$0x5], $0x3200, s23, s22, $0x38;
	[tilespmem:$0x19400] =	vst v63  }
0x13b: {  	_ =	swait.ge [sflag:s9], $0x3200  }
0x13c: {  	s25 =	sadd.s32 $0x1, s25;
	s31 =	rddreg [dreg:$0x19]  }
0x13d: {  	p0 =	sne.s32 s25, s31  }
.Ltmp1:
0x13e: {  	_ = 	snop;
	(pc) =	sbr.rel @p0 .LBB2_1-.Ltmp1, $3  }
0x13f: {  	_ =	sdelay $0x1  }
0x140: {  	[sflag:s9] =	ssyncset.done $0x0  }
0x141: {  	[sflag:s9] =	ssyncadd.s32 $0xFFFFCE00  }
0x142: {  	_ =	sfence.sel $0x180000  }
0x143: {  	[bflag:$0x0] =	sbarrier.arrive $0xFFFF  }
0x144: {  	_ =	strace $0x90000047  }
0x145: {  	s0 =	stileid.u32;
	[bflag:$0x2] =	sbarrier.arrive $0xFFFF  }
0x146: {  	p0 =	sne.s32 s0, $0x0;
	s0 =	rddreg [dreg:$0x2]  }
0x147: {  	s0 =	sadd.s32 @!p0 $0x100000, s0  }
0x148: {  	[sflag:s0] =	ssyncadd.tile.s32 @!p0 $0x1;
	_ =	shalt  }
.Lfunc_end2:
_tile_overlayer_lowered:
.L_overlay_start_2:
0x149: {  	(tag) =	ssettag $0x2  }
0x14a: {  	s0 =	rddreg [dreg:$0x0];
	s2 =	stileid.u32  }
0x14b: {  	s1 =	rddreg [dreg:$0x1];
	p0 =	sne.s32 s2, $0x0  }
0x14c: {  	s3 =	rddreg [dreg:$0x2];
	[bflag:$0x3] =	sbarrier.arrive $0xFFFF;
	s2 =	simm.s32 @!p0 $0x1C05  }
0x14d: {  	[timem:s3], [sflag:s2] =	dma.local @!p0 [hbm:s0], s1  }
0x14e: {  	s0 =	simm.s32 @!p0 $0x5  }
0x14f: {  	_ =	swait.ge @!p0 [sflag:s0], s1  }
0x150: {  	s1 =	ssub.s32 @!p0 $0x0, s1;
	[sflag:s0] =	ssyncset.done @!p0 $0x0  }
0x151: {  	[sflag:s0] =	ssyncadd.s32 @!p0 s1  }
0x152: {  	[bflag:$0x3] =	sbarrier.arrive $0xFFFF  }
0x153: {  	_ =	shalt  }

// kernel: sparse-core-data-format-call.cloned.1.call-start
scs
called_computation_lowered:
.L_overlay_start_0:
0x0: {  	s2 =	sld [smem:$0x3FD9]  }
0x1: {  	s3 =	sld [smem:$0x3FFE];
	_ =	sdelay $0x1  }
0x2: {  	s1 =	srdreg.scid  }
0x3: {  	s0 =	sand.u32 $0x1, s1  }
0x4: {  	s18 =	sshll.u32 s0, $0xA;
	s2 =	sadd.s32 s3, s2  }
0x5: {  	s2 =	sadd.s32 s2, s18  }
0x6: {  	[smem:$0x3FBB] =	sst s2  }
0x7: {  	_ = 	snop  }
0x8: {  	s2 =	sld [smem:$0x3FD0];
	(tm) =	ssettm $0x1  }
0x9: {  	s19 =	sld [smem:$0x3FFB];
	_ =	sdelay $0x3  }
0xa: {  	_ =	strace s19  }
0xb: {  	s3 =	sld [smem:$0x3FFC];
	_ =	sdelay $0x3  }
0xc: {  	_ =	strace s3  }
0xd: {  	s3 =	sld [smem:$0x3FFD];
	_ =	sdelay $0x3  }
0xe: {  	_ =	strace s3  }
0xf: {  	_ =	strace $0x8FFFFFFF  }
0x10: {  	s20 =	sld [smem:$0x3FDB];
	_ =	sdelay $0x1  }
0x11: {  	s4 =	simm.s32 $_scs_section_size  }
0x12: {  	s5 =	simm.s32 $_size__tile_overlayer_lowered;
	s6 =	simm.s32 $_tile_overlayer_lowered  }
0x13: {  	s23 =	simm.s32 $0x1BFF;
	s22 =	sshll.u32 s6, $0x1;
	s3 =	sadd.s32 s4, s20  }
0x14: {  	s7 =	simm.s32 $0x0;
	s21 =	sshll.u32 s5, $0x1;
	s5 =	sadd.s32 s22, s3  }
0x15: {  	[timem:s7], [sflag:s23] =	dma.local [hbm:s5], s21  }
0x16: {  	_ =	swait.ge [sflag:s23], s21  }
0x17: {  	s4 =	ssub.s32 $0x0, s21;
	[sflag:s23] =	ssyncset.done $0x0  }
0x18: {  	[sflag:s23] =	ssyncadd.s32 s4;
	_ =	sdelay $0x1  }
0x19: {  	s24 =	simm.s32 $0x1B8B  }
0x1a: {  	_ =	swait.ge [sflag:s24], $0x1  }
0x1b: {  	[sflag:s24] =	ssyncset.done $0x0  }
0x1c: {  	s26 =	simm.s32 $0x1B8E;
	s25 =	sld [smem:$0x3FFE];
	[sflag:s24] =	ssyncadd.s32 $0xFFFFFFFF  }
0x1d: {  	s27 =	simm.s32 $execute0_lowered;
	[smem:$0x3FD2] =	sst s26  }
0x1e: {  	s5 =	sshll.u32 s27, $0x1;
	_ =	strace $0x80000049;
	[dreg:$0x1] =	wrdreg $0xFFFFFFFF  }
0x1f: {  	s28 =	simm.s32 $_size_execute0_lowered;
	s3 =	sadd.s32 s3, s5;
	[dreg:$0x0] =	wrdreg $0x0  }
0x20: {  	s5 =	sshll.u32 s28, $0x1;
	[dreg:$0x2] =	wrdreg s3  }
0x21: {  	[dreg:$0x3] =	wrdreg s5  }
0x22: {  	[dreg:$0x4] =	wrdreg $0xC0  }
0x23: {  	_ =	task [dreg:s7], $0x5FFFF  }
0x24: {  	[dreg:$0x1] =	wrdreg $0xFFFFFFFF  }
0x25: {  	[dreg:$0x0] =	wrdreg $0x60  }
0x26: {  	[dreg:$0x2] =	wrdreg s25  }
0x27: {  	[dreg:$0x3] =	wrdreg s2  }
0x28: {  	[dreg:$0x4] =	wrdreg $0x9  }
0x29: {  	_ =	task.clear_ibuf [dreg:s7], $0x5FFFF;
	_ =	strace $0x90000049  }
0x2a: {  	s29 =	simm.s32 $0x9;
	_ =	strace $0x8000004B  }
0x2b: {  	_ =	swait.ge [sflag:s29], $0x1  }
0x2c: {  	[sflag:s29] =	ssyncadd.s32 $0xFFFFFFFF  }
0x2d: {  	_ =	strace $0x9000004B  }
0x2e: {  	_ =	sfence  }
0x2f: {  	s30 =	sld [smem:$0x0];
	_ =	sdelay $0x2  }
0x30: {  	s31 =	sshll.u32 s1, $0xD;
	s1 =	sshrl.u32 s1, $0x2  }
0x31: {  	s3 =	sand.u32 $0x4000, s31;
	s1 =	sadd.s32 s1, s30  }
0x32: {  	s0 =	sor.u32 s3, s0;
	s1 =	sshll.u32 s1, $0x11  }
0x33: {  	s0 =	sor.u32 s1, s0  }
0x34: {  	s0 =	sadd.s32 $0x8F2B, s0  }
0x35: {  	[sflag:s0] =	ssyncadd.remote.s32 $0x1  }
0x36: {  	_ =	sfence.sel $0xFFFF  }
0x37: {  	[dreg:$0x0] =	wrdreg $0xFFFFFFFF;
	(pc) =	sbr.abs _section_cstart, $3  }
0x38: {  	[dreg:$0x1] =	wrdreg $0xFFFFFFFF  }
0x39: {  	_ =	task.clear_ibuf [dreg:s7], $0x2FFFF;
	_ =	strace $0x9FFFFFFF  }
0x3a: {  	(tm) =	ssettm $0x7FFFFFFF  }
0x3b: {  	_ =	shalt  }
tec
execute0_lowered:
.L_overlay_start_1:
0x0: {  	(tag) =	ssettag $0x1  }
0x1: {  	s0 =	srdreg.scid  }
0x2: {  	s1 =	sshll.u32 s0, $0x4  }
0x3: {  	s0 =	stileid.u32;
	s1 =	sand.u32 $0x10, s1  }
0x4: {  	s1 =	sor.u32 s0, s1  }
0x5: {  	s6 =	rddreg [dreg:$0x0];
	s4 =	simm.s32 $0x1;
	s2 =	sshll.u32 s1, $0x7  }
0x6: {  	s7 =	simm.s32 $0x2;
	s12 =	simm.s32 $0x0;
	s1 =	ssub.s32 $0x1000, s2  }
0x7: {  	s8 =	simm.s32 $0x8000;
	s13 =	simm.s32 $0x0;
	s3 =	sand.u32 $0xF80, s1  }
0x8: {  	s9 =	simm.s32 $0x0;
	s5 =	sshrl.u32 s1, $0xC;
	p0 =	sne.s32 s3, $0x0  }
.Ltmp0:
0x9: {  	s1 =	rddreg [dreg:$0x2];
	s4 =	simm.s32 @!p0 $0x0;
	(pc) =	sbr.rel .LBB1_1-.Ltmp0, $4  }
0xa: {  	s11 =	simm.s32 $0x0;
	s3 =	rddreg [dreg:$0x1];
	s5 =	sadd.s32 s4, s5  }
0xb: {  	_ =	strace $0x8000004A;
	s4 =	simm.s32 $0x1;
	s5 =	smul.u32 $0x1B7, s5  }
0xc: {  	s6 =	sadd.s32 $0x1FDA00, s6;
	s10 =	smov.u32 s2;
	[sflag:s4] =	ssyncpa.u1 $0x0  }
0xd: {  	p0 =	por $0x0, $0x0;
	[sflag:s7] =	ssyncpa.u1 $0x0;
	s7 =	sadd.s32 $0x1, s5  }
.LBB1_4:
0xe: {  	s16 =	sshll.u32 s13, $0x3;
	s17 =	sand.u32 $0x78, s13  }
0xf: {  	s30 =	sand.u32 $0x7E00, s13;
	s12 =	sshll.u32 s12, $0xF;
	s16 =	sand.u32 $0xC00, s16  }
0x10: {  	[tilespmem:s15+$0x810 ss:$0x81] =	vst.msk $0xffff, v2;
	s31 =	sand.u32 $0x7, s13;
	s16 =	sor.u32 s17, s16;
	s17 =	sadd.s32 s3, s30  }
0x11: {  	[tilespmem:s15+$0x1020 ss:$0x81] =	vst.msk $0xffff, v0;
	s13 =	sshll.u32 s31, $0x12;
	s12 =	sadd.s32 s12, s17;
	s16 =	sshrl.u32 s16, $0x3  }
0x12: {  	[tilespmem:s15+$0x0 ss:$0x81] =	vst.msk $0xffff, v1;
	s13 =	sor.u32 $0x400, s13;
	s12 =	sadd.s32 s16, s12  }
0x13: {  	[hbm4b:s12+s13] =	stream.strided.scatter [tilespmem:s14], [sflag:$0x2], $0x2000, s8, s13, $0x20;
	[tilespmem:$0x8080] =	vst v63  }
.LBB1_5:
0x14: {  	s14 =	sadd.s32 $0x1, s9  }
0x15: {  	s12 =	sadd.s32 $0x1000, s10;
	s16 =	smov.u32 s10;
	p2 =	sgt.s32 s14, $0x1B6  }
0x16: {  	s16 =	smov.u32 @p2 s12  }
0x17: {  	s14 =	simm.s32 @p2 $0x0;
	p2 =	sgt.s32 s16, $0xFFF  }
0x18: {  	s16 =	smov.u32 @p2 s2;
	p2 =	sne.s32 s11, s7  }
.Ltmp1:
0x19: {  	p1 =	slt.u32 s11, $0x2;
	(pc) =	sbr.rel @!p2 .LBB1_6-.Ltmp1, $4  }
0x1a: {  	s15 =	simm.s32 @!p1 $0x2  }
0x1b: {  	s13 =	smov.u32 s10;
	p0 =	por !p0, !p0;
	_ =	swait.ge @!p1 [sflag:s15], $0x2000  }
0x1c: {  	s12 =	smov.u32 s9;
	[sflag:s15] =	ssyncset.done @!p1 $0x0;
	s9 =	smov.u32 s14  }
0x1d: {  	s11 =	sadd.s32 $0x1, s11;
	[sflag:s15] =	ssyncadd.s32 @!p1 $0xFFFFE000;
	s10 =	smov.u32 s16  }
.LBB1_1:
0x1e: {  	p1 =	sge.u32 s11, s5  }
0x1f: {  	s14 =	sand.u32 @!p1 $0x1FFFFFF, s9  }
0x20: {  	s15 =	smulhi.u32 @!p1 $0x129E413, s14;
	_ =	sdelay $0x1  }
0x21: {  	s15 =	sshrl.u32 @!p1 s15, $0x1  }
0x22: {  	s15 =	smul.u32 @!p1 $0x1B8, s15  }
0x23: {  	s16 =	sxor.u32 @!p1 $0xFFFFFFFF, s11;
	s17 =	smul.u32 @!p1 $0x1B80, s10  }
0x24: {  	s31 =	sadd.s32 $0xFFFFFFFF, s11;
	s16 =	sshll.u32 @!p1 s16, $0xD;
	s14 =	ssub.s32 @!p1 s14, s15  }
0x25: {  	s15 =	sand.u32 @!p1 $0x2000, s16;
	s16 =	sadd.s32 @!p1 s6, s17;
	s14 =	sshll.u32 @!p1 s14, $0x4  }
0x26: {  	s17 =	simm.s32 @!p1 $0xDC00;
	s14 =	sadd.s32 @!p1 s14, s16;
	s16 =	simm.s32 @!p1 $0x40  }
0x27: {  	[tilespmem:s15], [sflag:$0x1] =	stream.strided.gather @!p1 [hbm4b:s14+s16], $0x2000, s17, s16, $0x38;
	[tilespmem:$0x8080] =	vst v63  }
0x28: {  	p1 =	sge.u32 s31, s5  }
.Ltmp2:
0x29: {  	_ = 	snop;
	(pc) =	sbr.rel @p1 .LBB1_5-.Ltmp2, $1  }
0x2a: {  	_ =	sdelay $0x3  }
0x2b: {  	s14 =	simm.s32 $0x1  }
0x2c: {  	_ =	swait.ge [sflag:s4], $0x2000;
	s14 =	simm.s32 @!p0 $0x0  }
0x2d: {  	[sflag:s4] =	ssyncset.done $0x0;
	s15 =	sshll.u32 s14, $0xD  }
0x2e: {  	[sflag:s4] =	ssyncadd.s32 $0xFFFFE000;
	s18 =	sor.u32 $0x20, s15  }
0x2f: {  	s14 =	smul.u32 $0x8100, s14;
	v3 =	vld [tilespmem:s18+$0x10]  }
0x30: {  	s30 =	sand.u32 $0x1, s11;
	v2 =	vld [tilespmem:s18+$0xFFFFFFF0]  }
0x31: {  	s15 =	smul.u32 $0x8100, s30;
	s14 =	sshrl.u32 s14, $0x2;
	v0 =	vld [tilespmem:s18+$0x0]  }
0x32: {  	v1 =	vld [tilespmem:s18+$0xFFFFFFE0];
	s16 =	sor.u32 $0x4000, s14  }
0x33: {  	s31 =	sshrl.u32 s15, $0x2;
	s15 =	sadd.s32 $0x0, s16  }
0x34: {  	s17 =	simm.s32 $0x4;
	s18 =	sadd.s32 $0x40, s18;
	s14 =	sor.u32 $0x4000, s31;
	[tilespmem:s15+$0x1830 ss:$0x81] =	vst.msk $0xffff, v3  }
.LBB1_3:
0x35: {  	v3 =	vld [tilespmem:s18+$0x10];
	p1 =	sne.s32 s17, $0x1FC;
	[tilespmem:s15+$0x810 ss:$0x81] =	vst.msk $0xffff, v2;
	s19 =	smov.u32 s17;
	s17 =	sadd.s32 $0x4, s17  }
.Ltmp3:
0x36: {  	v2 =	vld [tilespmem:s18+$0xFFFFFFF0];
	[tilespmem:s15+$0x1020 ss:$0x81] =	vst.msk $0xffff, v0;
	(pc) =	sbr.rel @p1 .LBB1_3-.Ltmp3, $4  }
0x37: {  	v0 =	vld [tilespmem:s18+$0x0];
	[tilespmem:s15+$0x0 ss:$0x81] =	vst.msk $0xffff, v1  }
0x38: {  	s15 =	sshra.s32 s19, $0x2;
	v1 =	vld [tilespmem:s18+$0xFFFFFFE0]  }
0x39: {  	s15 =	sadd.s32 s15, s16  }
0x3a: {  	s18 =	sadd.s32 $0x40, s18;
	[tilespmem:s15+$0x1830 ss:$0x81] =	vst.msk $0xffff, v3  }
.Ltmp4:
0x3b: {  	_ = 	snop;
	(pc) =	sbr.rel .LBB1_4-.Ltmp4, $1  }
0x3c: {  	_ =	sdelay $0x3  }
.LBB1_6:
0x3d: {  	_ =	sfence.sel $0x180000  }
0x3e: {  	s2 =	simm.s32 $0x1;
	[bflag:$0x0] =	sbarrier.arrive $0xFFFF  }
0x3f: {  	s31 =	simm.s32 $0x2;
	[sflag:s2] =	ssyncpa.u1 $0x1  }
0x40: {  	[sflag:s31] =	ssyncpa.u1 $0x1  }
0x41: {  	p0 =	sne.s32 s0, $0x0;
	_ =	strace $0x9000004A  }
0x42: {  	s0 =	sadd.s32 @!p0 $0x100000, s1;
	[bflag:$0x2] =	sbarrier.arrive $0xFFFF  }
0x43: {  	[sflag:s0] =	ssyncadd.tile.s32 @!p0 $0x1;
	_ =	shalt  }
.Lfunc_end1:
_tile_overlayer_lowered:
.L_overlay_start_2:
0x44: {  	(tag) =	ssettag $0x2  }
0x45: {  	s0 =	rddreg [dreg:$0x0];
	s2 =	stileid.u32  }
0x46: {  	s1 =	rddreg [dreg:$0x1];
	p0 =	sne.s32 s2, $0x0  }
0x47: {  	s3 =	rddreg [dreg:$0x2];
	[bflag:$0x3] =	sbarrier.arrive $0xFFFF;
	s2 =	simm.s32 @!p0 $0x1C01  }
0x48: {  	[timem:s3], [sflag:s2] =	dma.local @!p0 [hbm:s0], s1  }
0x49: {  	s0 =	simm.s32 @!p0 $0x1  }
0x4a: {  	_ =	swait.ge @!p0 [sflag:s0], s1  }
0x4b: {  	s1 =	ssub.s32 @!p0 $0x0, s1;
	[sflag:s0] =	ssyncset.done @!p0 $0x0  }
0x4c: {  	[sflag:s0] =	ssyncadd.s32 @!p0 s1  }
0x4d: {  	[bflag:$0x3] =	sbarrier.arrive $0xFFFF  }
0x4e: {  	_ =	shalt  }

</sc_bundles>
